<compile_context>
chip_gen: v7x
topology: tpu7x:2x2x1
jax: 0.10.2.dev20260603
libtpu: 0.0.44.dev20260713+nightly
codegen_flags: <defaults>
</compile_context>

<pallas_src>
import jax
import jax.numpy as jnp
from jax import lax
from jax.experimental import pallas as pl
from jax.experimental.pallas import tpu as pltpu
from jax.experimental.pallas import tpu_sc as plsc

M, N, K = 1024, 32768, 8192
NC, NS = 2, 16
NW = NC * NS
ROWS_PER_W = M // NW
LANES = 16
WINDOWS = K // LANES
HALF = K // 2
HWIN = WINDOWS // 2
NBUF = 3


def _scatter_half(ind_v, x0_v, x1_v, row_v, roff, lo):
    @plsc.parallel_loop(lo * LANES, (lo + HWIN) * LANES, LANES, unroll=8)
    def _(o):
        packed = ind_v[pl.ds(o, LANES)]
        idx1 = (packed & 0xFFFF) + roff
        idx2 = lax.shift_right_logical(packed, 16) + roff
        plsc.addupdate_scatter(row_v, [idx1], x0_v[pl.ds(o, LANES)])
        plsc.addupdate_scatter(row_v, [idx2], x1_v[pl.ds(o, LANES)])


def _body(out_hbm, x0_hbm, x1_hbm, ind_hbm, out_o,
          ind_v, row_v, x0_v, x1_v,
          sem_row, sem_x, sem_out):
    wid = lax.axis_index("s") * NC + lax.axis_index("c")
    base = wid * ROWS_PER_W

    pltpu.sync_copy(ind_hbm, ind_v)

    def row_in(r):
        return pltpu.make_async_copy(
            out_hbm.at[base + r],
            row_v.at[pl.ds(lax.rem(r, NBUF) * N, N)], sem_row)

    def x_in(r, h):
        sl = pl.ds(h * HALF, HALF)
        return (
            pltpu.make_async_copy(
                x0_hbm.at[base + r, sl], x0_v.at[sl], sem_x),
            pltpu.make_async_copy(
                x1_hbm.at[base + r, sl], x1_v.at[sl], sem_x),
        )

    def _row_out_args(r):
        return (row_v.at[pl.ds(lax.rem(r, NBUF) * N, N)],
                out_o.at[base + r], sem_out)

    def row_out_start(r):
        pltpu.async_copy(*_row_out_args(r))

    def row_out_wait(r):
        pltpu.make_async_copy(*_row_out_args(r)).wait()

    row_in(0).start()
    for c in x_in(0, 0) + x_in(0, 1):
        c.start()

    def row_body(r, carry):
        @pl.when(r >= 2)
        def _():
            row_out_wait(r - 2)

        @pl.when(r + 1 < ROWS_PER_W)
        def _():
            row_in(r + 1).start()

        row_in(r).wait()
        roff = lax.rem(r, NBUF) * N

        for c in x_in(r, 0):
            c.wait()
        _scatter_half(ind_v, x0_v, x1_v, row_v, roff, 0)

        @pl.when(r + 1 < ROWS_PER_W)
        def _():
            for c in x_in(r + 1, 0):
                c.start()

        for c in x_in(r, 1):
            c.wait()
        _scatter_half(ind_v, x0_v, x1_v, row_v, roff, HWIN)

        @pl.when(r + 1 < ROWS_PER_W)
        def _():
            for c in x_in(r + 1, 1):
                c.start()

        row_out_start(r)
        return carry

    lax.fori_loop(0, ROWS_PER_W, row_body, 0)

    row_out_wait(ROWS_PER_W - 2)
    row_out_wait(ROWS_PER_W - 1)


def kernel(out, x0, x1, ind1, ind2):
    mesh = plsc.VectorSubcoreMesh(
        core_axis_name="c", subcore_axis_name="s",
        num_cores=NC, num_subcores=NS)
    f = pl.kernel(
        _body,
        out_type=jax.ShapeDtypeStruct((M, N), jnp.float32),
        mesh=mesh,
        scratch_types=[
            pltpu.VMEM((K,), jnp.int32),
            pltpu.VMEM((NBUF * N,), jnp.float32),
            pltpu.VMEM((K,), jnp.float32),
            pltpu.VMEM((K,), jnp.float32),
            pltpu.SemaphoreType.DMA,
            pltpu.SemaphoreType.DMA,
            pltpu.SemaphoreType.DMA,
        ],
        compiler_params=pltpu.CompilerParams(needs_layout_passes=False),
    )
    packed = (ind1.astype(jnp.int32) & 0xFFFF) | (
        ind2.astype(jnp.int32) << 16)
    return f(out, x0, x1, packed)

# --- scband reference (transcript-rebuilt; emitter-appended) ---
"""Pipeline reference for scband-iadd-t2-28183575397024 (READ-ONLY COPY).

The authoritative reference and input builder live on the scoring server;
editing this copy changes nothing except your own understanding.
"""

import jax, jax.numpy as jnp
import numpy as np


def setup_inputs(seed: int = 0) -> dict:
    key = jax.random.key(seed)
    k1, k2, k3, k4, k5 = jax.random.split(key, 5)
    out = jax.random.normal(k1, (1024, 32768), dtype=jnp.float32)
    x0 = jax.random.normal(k2, (1024, 8192), dtype=jnp.float32)
    x1 = jax.random.normal(k3, (1024, 8192), dtype=jnp.float32)
    ind1 = jax.random.randint(k4, (8192,), 0, 32768, dtype=jnp.int64 if jax.config.jax_enable_x64 else jnp.int32)
    ind2 = jax.random.randint(k5, (8192,), 0, 32768, dtype=jnp.int64 if jax.config.jax_enable_x64 else jnp.int32)
    return {"out": out, "x0": x0, "x1": x1, "ind1": ind1, "ind2": ind2}


def reference(out, x0, x1, ind1, ind2):
    # torch: out.index_add_(1, ind1, x0); out.index_add_(1, ind2, x1)
    # JAX functional equivalent: scatter-add along axis 1.
    out = out.at[:, ind1].add(x0)
    out = out.at[:, ind2].add(x1)
    return out

if __name__ == "__main__":
    import jax
    _d = setup_inputs()
    print(jax.jit(kernel)(*tuple(_d.values())))

</pallas_src>

<mosaic_0001>
#map = affine_map<(d0, d1) -> (0, 0)>
#map1 = affine_map<(d0, d1) -> (0)>
module attributes {stable_mosaic.version = 14 : i64} {
  func.func @_body(%arg0: i32, %arg1: i32, %arg2: memref<1024x32768xf32, #tpu.memory_space<hbm>>, %arg3: memref<1024x8192xf32, #tpu.memory_space<hbm>>, %arg4: memref<1024x8192xf32, #tpu.memory_space<hbm>>, %arg5: memref<8192xi32, #tpu.memory_space<hbm>>, %arg6: memref<1024x32768xf32, #tpu.memory_space<hbm>>, %arg7: memref<8192xi32, #tpu.memory_space<vmem>>, %arg8: memref<98304xf32, #tpu.memory_space<vmem>>, %arg9: memref<8192xf32, #tpu.memory_space<vmem>>, %arg10: memref<8192xf32, #tpu.memory_space<vmem>>, %arg11: memref<!tpu.dma_semaphore, #tpu.memory_space<semaphore_mem>>, %arg12: memref<!tpu.dma_semaphore, #tpu.memory_space<semaphore_mem>>, %arg13: memref<!tpu.dma_semaphore, #tpu.memory_space<semaphore_mem>>) attributes {dimension_semantics = [#tpu.dimension_semantics<core_parallel>, #tpu.dimension_semantics<subcore_parallel>], iteration_bounds = array<i64: 2, 16>, scalar_prefetch = 0 : i64, scratch_operands = 7 : i64, tpu.core_type = #tpu.core_type<sc_vector_subcore>, window_params = [{transform_indices = #map}, {transform_indices = #map}, {transform_indices = #map}, {transform_indices = #map1}, {transform_indices = #map}]} {
    %mul3A = arith.constant 2 : i32
    %mul3A_0 = arith.muli %arg1, %mul3A : i32
    %add3A = arith.addi %mul3A_0, %arg0 : i32
    %mul3A_1 = arith.constant 32 : i32
    %mul3A_2 = arith.muli %add3A, %mul3A_1 : i32
    "tpu.region"() ({
      %run_scoped3A = tpu.sem_alloc : memref<!tpu.dma_semaphore, #tpu.memory_space<semaphore_mem>>
      tpu.enqueue_dma source(%arg5 : memref<8192xi32, #tpu.memory_space<hbm>>) target(%arg7 : memref<8192xi32, #tpu.memory_space<vmem>>) target_semaphore(%run_scoped3A : memref<!tpu.dma_semaphore, #tpu.memory_space<semaphore_mem>>)
      tpu.wait_dma2 semaphore(%run_scoped3A : memref<!tpu.dma_semaphore, #tpu.memory_space<semaphore_mem>>) src(%arg5 : memref<8192xi32, #tpu.memory_space<hbm>>) dst(%arg7 : memref<8192xi32, #tpu.memory_space<vmem>>)
      tpu.yield
    }) : () -> ()
    %add3A_3 = arith.constant 0 : i32
    %add3A_4 = arith.addi %mul3A_2, %add3A_3 : i32
    %rem3A = arith.constant 0 : i32
    %rem3A_5 = arith.constant 3 : i32
    %rem3A_6 = arith.remsi %rem3A, %rem3A_5 : i32
    %mul3A_7 = arith.constant 32768 : i32
    %mul3A_8 = arith.muli %rem3A_6, %mul3A_7 : i32
    %dma_start3A = tpu.memref_slice %arg8[%mul3A_8] : memref<98304xf32, #tpu.memory_space<vmem>> -> memref<32768xf32, #tpu.memory_space<vmem>>
    %dma_start3A_9 = arith.constant 0 : i32
    %dma_start3A_10 = tpu.memref_slice %arg2[%add3A_4, %dma_start3A_9] : memref<1024x32768xf32, #tpu.memory_space<hbm>> -> memref<1x32768xf32, #tpu.memory_space<hbm>>
    %dma_start3A_11 = tpu.memref_squeeze %dma_start3A_10 : memref<1x32768xf32, #tpu.memory_space<hbm>> -> memref<32768xf32, #tpu.memory_space<hbm>>
    %dma_start3A_12 = tpu.memref_slice %arg8[%mul3A_8] : memref<98304xf32, #tpu.memory_space<vmem>> -> memref<32768xf32, #tpu.memory_space<vmem>>
    %dma_start3A_13 = arith.constant 0 : i32
    %dma_start3A_14 = tpu.memref_slice %arg2[%add3A_4, %dma_start3A_13] : memref<1024x32768xf32, #tpu.memory_space<hbm>> -> memref<1x32768xf32, #tpu.memory_space<hbm>>
    %dma_start3A_15 = tpu.memref_squeeze %dma_start3A_14 : memref<1x32768xf32, #tpu.memory_space<hbm>> -> memref<32768xf32, #tpu.memory_space<hbm>>
    tpu.enqueue_dma source(%dma_start3A_15 : memref<32768xf32, #tpu.memory_space<hbm>>) target(%dma_start3A_12 : memref<32768xf32, #tpu.memory_space<vmem>>) target_semaphore(%arg11 : memref<!tpu.dma_semaphore, #tpu.memory_space<semaphore_mem>>)
    %add3A_16 = arith.constant 0 : i32
    %add3A_17 = arith.addi %mul3A_2, %add3A_16 : i32
    %add3A_18 = arith.constant 0 : i32
    %add3A_19 = arith.addi %mul3A_2, %add3A_18 : i32
    %add3A_20 = arith.constant 0 : i32
    %add3A_21 = arith.addi %mul3A_2, %add3A_20 : i32
    %add3A_22 = arith.constant 0 : i32
    %add3A_23 = arith.addi %mul3A_2, %add3A_22 : i32
    %dma_start3A_24 = arith.constant 0 : i32
    %dma_start3A_25 = tpu.memref_slice %arg9[%dma_start3A_24] : memref<8192xf32, #tpu.memory_space<vmem>> -> memref<4096xf32, #tpu.memory_space<vmem>>
    %dma_start3A_26 = arith.constant 0 : i32
    %dma_start3A_27 = tpu.memref_slice %arg3[%add3A_17, %dma_start3A_26] : memref<1024x8192xf32, #tpu.memory_space<hbm>> -> memref<1x4096xf32, #tpu.memory_space<hbm>>
    %dma_start3A_28 = tpu.memref_squeeze %dma_start3A_27 : memref<1x4096xf32, #tpu.memory_space<hbm>> -> memref<4096xf32, #tpu.memory_space<hbm>>
    %dma_start3A_29 = arith.constant 0 : i32
    %dma_start3A_30 = tpu.memref_slice %arg9[%dma_start3A_29] : memref<8192xf32, #tpu.memory_space<vmem>> -> memref<4096xf32, #tpu.memory_space<vmem>>
    %dma_start3A_31 = arith.constant 0 : i32
    %dma_start3A_32 = tpu.memref_slice %arg3[%add3A_17, %dma_start3A_31] : memref<1024x8192xf32, #tpu.memory_space<hbm>> -> memref<1x4096xf32, #tpu.memory_space<hbm>>
    %dma_start3A_33 = tpu.memref_squeeze %dma_start3A_32 : memref<1x4096xf32, #tpu.memory_space<hbm>> -> memref<4096xf32, #tpu.memory_space<hbm>>
    tpu.enqueue_dma source(%dma_start3A_33 : memref<4096xf32, #tpu.memory_space<hbm>>) target(%dma_start3A_30 : memref<4096xf32, #tpu.memory_space<vmem>>) target_semaphore(%arg12 : memref<!tpu.dma_semaphore, #tpu.memory_space<semaphore_mem>>)
    %dma_start3A_34 = arith.constant 0 : i32
    %dma_start3A_35 = tpu.memref_slice %arg10[%dma_start3A_34] : memref<8192xf32, #tpu.memory_space<vmem>> -> memref<4096xf32, #tpu.memory_space<vmem>>
    %dma_start3A_36 = arith.constant 0 : i32
    %dma_start3A_37 = tpu.memref_slice %arg4[%add3A_19, %dma_start3A_36] : memref<1024x8192xf32, #tpu.memory_space<hbm>> -> memref<1x4096xf32, #tpu.memory_space<hbm>>
    %dma_start3A_38 = tpu.memref_squeeze %dma_start3A_37 : memref<1x4096xf32, #tpu.memory_space<hbm>> -> memref<4096xf32, #tpu.memory_space<hbm>>
    %dma_start3A_39 = arith.constant 0 : i32
    %dma_start3A_40 = tpu.memref_slice %arg10[%dma_start3A_39] : memref<8192xf32, #tpu.memory_space<vmem>> -> memref<4096xf32, #tpu.memory_space<vmem>>
    %dma_start3A_41 = arith.constant 0 : i32
    %dma_start3A_42 = tpu.memref_slice %arg4[%add3A_19, %dma_start3A_41] : memref<1024x8192xf32, #tpu.memory_space<hbm>> -> memref<1x4096xf32, #tpu.memory_space<hbm>>
    %dma_start3A_43 = tpu.memref_squeeze %dma_start3A_42 : memref<1x4096xf32, #tpu.memory_space<hbm>> -> memref<4096xf32, #tpu.memory_space<hbm>>
    tpu.enqueue_dma source(%dma_start3A_43 : memref<4096xf32, #tpu.memory_space<hbm>>) target(%dma_start3A_40 : memref<4096xf32, #tpu.memory_space<vmem>>) target_semaphore(%arg12 : memref<!tpu.dma_semaphore, #tpu.memory_space<semaphore_mem>>)
    %dma_start3A_44 = arith.constant 4096 : i32
    %dma_start3A_45 = tpu.memref_slice %arg9[%dma_start3A_44] : memref<8192xf32, #tpu.memory_space<vmem>> -> memref<4096xf32, #tpu.memory_space<vmem>>
    %dma_start3A_46 = arith.constant 4096 : i32
    %dma_start3A_47 = tpu.memref_slice %arg3[%add3A_21, %dma_start3A_46] : memref<1024x8192xf32, #tpu.memory_space<hbm>> -> memref<1x4096xf32, #tpu.memory_space<hbm>>
    %dma_start3A_48 = tpu.memref_squeeze %dma_start3A_47 : memref<1x4096xf32, #tpu.memory_space<hbm>> -> memref<4096xf32, #tpu.memory_space<hbm>>
    %dma_start3A_49 = arith.constant 4096 : i32
    %dma_start3A_50 = tpu.memref_slice %arg9[%dma_start3A_49] : memref<8192xf32, #tpu.memory_space<vmem>> -> memref<4096xf32, #tpu.memory_space<vmem>>
    %dma_start3A_51 = arith.constant 4096 : i32
    %dma_start3A_52 = tpu.memref_slice %arg3[%add3A_21, %dma_start3A_51] : memref<1024x8192xf32, #tpu.memory_space<hbm>> -> memref<1x4096xf32, #tpu.memory_space<hbm>>
    %dma_start3A_53 = tpu.memref_squeeze %dma_start3A_52 : memref<1x4096xf32, #tpu.memory_space<hbm>> -> memref<4096xf32, #tpu.memory_space<hbm>>
    tpu.enqueue_dma source(%dma_start3A_53 : memref<4096xf32, #tpu.memory_space<hbm>>) target(%dma_start3A_50 : memref<4096xf32, #tpu.memory_space<vmem>>) target_semaphore(%arg12 : memref<!tpu.dma_semaphore, #tpu.memory_space<semaphore_mem>>)
    %dma_start3A_54 = arith.constant 4096 : i32
    %dma_start3A_55 = tpu.memref_slice %arg10[%dma_start3A_54] : memref<8192xf32, #tpu.memory_space<vmem>> -> memref<4096xf32, #tpu.memory_space<vmem>>
    %dma_start3A_56 = arith.constant 4096 : i32
    %dma_start3A_57 = tpu.memref_slice %arg4[%add3A_23, %dma_start3A_56] : memref<1024x8192xf32, #tpu.memory_space<hbm>> -> memref<1x4096xf32, #tpu.memory_space<hbm>>
    %dma_start3A_58 = tpu.memref_squeeze %dma_start3A_57 : memref<1x4096xf32, #tpu.memory_space<hbm>> -> memref<4096xf32, #tpu.memory_space<hbm>>
    %dma_start3A_59 = arith.constant 4096 : i32
    %dma_start3A_60 = tpu.memref_slice %arg10[%dma_start3A_59] : memref<8192xf32, #tpu.memory_space<vmem>> -> memref<4096xf32, #tpu.memory_space<vmem>>
    %dma_start3A_61 = arith.constant 4096 : i32
    %dma_start3A_62 = tpu.memref_slice %arg4[%add3A_23, %dma_start3A_61] : memref<1024x8192xf32, #tpu.memory_space<hbm>> -> memref<1x4096xf32, #tpu.memory_space<hbm>>
    %dma_start3A_63 = tpu.memref_squeeze %dma_start3A_62 : memref<1x4096xf32, #tpu.memory_space<hbm>> -> memref<4096xf32, #tpu.memory_space<hbm>>
    tpu.enqueue_dma source(%dma_start3A_63 : memref<4096xf32, #tpu.memory_space<hbm>>) target(%dma_start3A_60 : memref<4096xf32, #tpu.memory_space<vmem>>) target_semaphore(%arg12 : memref<!tpu.dma_semaphore, #tpu.memory_space<semaphore_mem>>)
    %scan3A = arith.constant 0 : i32
    %scan3A_64 = arith.constant 0 : i32
    %scan3A_65 = arith.constant 32 : i32
    %scan3A_66 = arith.addi %scan3A_64, %scan3A_65 : i32
    %scan3A_67 = arith.constant 1 : i32
    scf.for %scan3A_98 = %scan3A_64 to %scan3A_66 step %scan3A_67  : i32 {
      %ge3A = arith.constant 2 : i32
      %ge3A_99 = arith.cmpi sge, %scan3A_98, %ge3A : i32
      %convert_element_type3A = arith.extui %ge3A_99 : i1 to i32
      %cond3A = arith.constant 0 : i32
      %cond3A_100 = arith.cmpi ne, %convert_element_type3A, %cond3A : i32
      scf.if %cond3A_100 {
        %sub3A = arith.constant 2 : i32
        %sub3A_200 = arith.subi %scan3A_98, %sub3A : i32
        %rem3A_201 = arith.constant 3 : i32
        %rem3A_202 = arith.remsi %sub3A_200, %rem3A_201 : i32
        %mul3A_203 = arith.constant 32768 : i32
        %mul3A_204 = arith.muli %rem3A_202, %mul3A_203 : i32
        %add3A_205 = arith.addi %mul3A_2, %sub3A_200 : i32
        %dma_wait3A_206 = tpu.memref_slice %arg8[%mul3A_204] : memref<98304xf32, #tpu.memory_space<vmem>> -> memref<32768xf32, #tpu.memory_space<vmem>>
        %dma_wait3A_207 = arith.constant 0 : i32
        %dma_wait3A_208 = tpu.memref_slice %arg6[%add3A_205, %dma_wait3A_207] : memref<1024x32768xf32, #tpu.memory_space<hbm>> -> memref<1x32768xf32, #tpu.memory_space<hbm>>
        %dma_wait3A_209 = tpu.memref_squeeze %dma_wait3A_208 : memref<1x32768xf32, #tpu.memory_space<hbm>> -> memref<32768xf32, #tpu.memory_space<hbm>>
        %dma_wait3A_210 = arith.constant 0 : i32
        %dma_wait3A_211 = tpu.memref_slice %arg6[%add3A_205, %dma_wait3A_210] : memref<1024x32768xf32, #tpu.memory_space<hbm>> -> memref<1x32768xf32, #tpu.memory_space<hbm>>
        %dma_wait3A_212 = tpu.memref_squeeze %dma_wait3A_211 : memref<1x32768xf32, #tpu.memory_space<hbm>> -> memref<32768xf32, #tpu.memory_space<hbm>>
        %dma_wait3A_213 = tpu.memref_slice %arg8[%mul3A_204] : memref<98304xf32, #tpu.memory_space<vmem>> -> memref<32768xf32, #tpu.memory_space<vmem>>
        tpu.wait_dma2 semaphore(%arg13 : memref<!tpu.dma_semaphore, #tpu.memory_space<semaphore_mem>>) src(%dma_wait3A_213 : memref<32768xf32, #tpu.memory_space<vmem>>) dst(%dma_wait3A_212 : memref<32768xf32, #tpu.memory_space<hbm>>)
      } else {
      }
      %add3A_101 = arith.constant 1 : i32
      %add3A_102 = arith.addi %scan3A_98, %add3A_101 : i32
      %lt3A = arith.constant 32 : i32
      %lt3A_103 = arith.cmpi slt, %add3A_102, %lt3A : i32
      %convert_element_type3A_104 = arith.extui %lt3A_103 : i1 to i32
      %cond3A_105 = arith.constant 0 : i32
      %cond3A_106 = arith.cmpi ne, %convert_element_type3A_104, %cond3A_105 : i32
      scf.if %cond3A_106 {
        %add3A_200 = arith.constant 1 : i32
        %add3A_201 = arith.addi %scan3A_98, %add3A_200 : i32
        %add3A_202 = arith.addi %mul3A_2, %add3A_201 : i32
        %rem3A_203 = arith.constant 3 : i32
        %rem3A_204 = arith.remsi %add3A_201, %rem3A_203 : i32
        %mul3A_205 = arith.constant 32768 : i32
        %mul3A_206 = arith.muli %rem3A_204, %mul3A_205 : i32
        %dma_start3A_207 = tpu.memref_slice %arg8[%mul3A_206] : memref<98304xf32, #tpu.memory_space<vmem>> -> memref<32768xf32, #tpu.memory_space<vmem>>
        %dma_start3A_208 = arith.constant 0 : i32
        %dma_start3A_209 = tpu.memref_slice %arg2[%add3A_202, %dma_start3A_208] : memref<1024x32768xf32, #tpu.memory_space<hbm>> -> memref<1x32768xf32, #tpu.memory_space<hbm>>
        %dma_start3A_210 = tpu.memref_squeeze %dma_start3A_209 : memref<1x32768xf32, #tpu.memory_space<hbm>> -> memref<32768xf32, #tpu.memory_space<hbm>>
        %dma_start3A_211 = tpu.memref_slice %arg8[%mul3A_206] : memref<98304xf32, #tpu.memory_space<vmem>> -> memref<32768xf32, #tpu.memory_space<vmem>>
        %dma_start3A_212 = arith.constant 0 : i32
        %dma_start3A_213 = tpu.memref_slice %arg2[%add3A_202, %dma_start3A_212] : memref<1024x32768xf32, #tpu.memory_space<hbm>> -> memref<1x32768xf32, #tpu.memory_space<hbm>>
        %dma_start3A_214 = tpu.memref_squeeze %dma_start3A_213 : memref<1x32768xf32, #tpu.memory_space<hbm>> -> memref<32768xf32, #tpu.memory_space<hbm>>
        tpu.enqueue_dma source(%dma_start3A_214 : memref<32768xf32, #tpu.memory_space<hbm>>) target(%dma_start3A_211 : memref<32768xf32, #tpu.memory_space<vmem>>) target_semaphore(%arg11 : memref<!tpu.dma_semaphore, #tpu.memory_space<semaphore_mem>>)
      } else {
      }
      %add3A_107 = arith.addi %mul3A_2, %scan3A_98 : i32
      %rem3A_108 = arith.constant 3 : i32
      %rem3A_109 = arith.remsi %scan3A_98, %rem3A_108 : i32
      %mul3A_110 = arith.constant 32768 : i32
      %mul3A_111 = arith.muli %rem3A_109, %mul3A_110 : i32
      %dma_wait3A_112 = tpu.memref_slice %arg8[%mul3A_111] : memref<98304xf32, #tpu.memory_space<vmem>> -> memref<32768xf32, #tpu.memory_space<vmem>>
      %dma_wait3A_113 = arith.constant 0 : i32
      %dma_wait3A_114 = tpu.memref_slice %arg2[%add3A_107, %dma_wait3A_113] : memref<1024x32768xf32, #tpu.memory_space<hbm>> -> memref<1x32768xf32, #tpu.memory_space<hbm>>
      %dma_wait3A_115 = tpu.memref_squeeze %dma_wait3A_114 : memref<1x32768xf32, #tpu.memory_space<hbm>> -> memref<32768xf32, #tpu.memory_space<hbm>>
      %dma_wait3A_116 = tpu.memref_slice %arg8[%mul3A_111] : memref<98304xf32, #tpu.memory_space<vmem>> -> memref<32768xf32, #tpu.memory_space<vmem>>
      %dma_wait3A_117 = arith.constant 0 : i32
      %dma_wait3A_118 = tpu.memref_slice %arg2[%add3A_107, %dma_wait3A_117] : memref<1024x32768xf32, #tpu.memory_space<hbm>> -> memref<1x32768xf32, #tpu.memory_space<hbm>>
      %dma_wait3A_119 = tpu.memref_squeeze %dma_wait3A_118 : memref<1x32768xf32, #tpu.memory_space<hbm>> -> memref<32768xf32, #tpu.memory_space<hbm>>
      tpu.wait_dma2 semaphore(%arg11 : memref<!tpu.dma_semaphore, #tpu.memory_space<semaphore_mem>>) src(%dma_wait3A_119 : memref<32768xf32, #tpu.memory_space<hbm>>) dst(%dma_wait3A_116 : memref<32768xf32, #tpu.memory_space<vmem>>)
      %rem3A_120 = arith.constant 3 : i32
      %rem3A_121 = arith.remsi %scan3A_98, %rem3A_120 : i32
      %mul3A_122 = arith.constant 32768 : i32
      %mul3A_123 = arith.muli %rem3A_121, %mul3A_122 : i32
      %add3A_124 = arith.addi %mul3A_2, %scan3A_98 : i32
      %add3A_125 = arith.addi %mul3A_2, %scan3A_98 : i32
      %dma_wait3A_126 = arith.constant 0 : i32
      %dma_wait3A_127 = tpu.memref_slice %arg9[%dma_wait3A_126] : memref<8192xf32, #tpu.memory_space<vmem>> -> memref<4096xf32, #tpu.memory_space<vmem>>
      %dma_wait3A_128 = arith.constant 0 : i32
      %dma_wait3A_129 = tpu.memref_slice %arg3[%add3A_124, %dma_wait3A_128] : memref<1024x8192xf32, #tpu.memory_space<hbm>> -> memref<1x4096xf32, #tpu.memory_space<hbm>>
      %dma_wait3A_130 = tpu.memref_squeeze %dma_wait3A_129 : memref<1x4096xf32, #tpu.memory_space<hbm>> -> memref<4096xf32, #tpu.memory_space<hbm>>
      %dma_wait3A_131 = arith.constant 0 : i32
      %dma_wait3A_132 = tpu.memref_slice %arg9[%dma_wait3A_131] : memref<8192xf32, #tpu.memory_space<vmem>> -> memref<4096xf32, #tpu.memory_space<vmem>>
      %dma_wait3A_133 = arith.constant 0 : i32
      %dma_wait3A_134 = tpu.memref_slice %arg3[%add3A_124, %dma_wait3A_133] : memref<1024x8192xf32, #tpu.memory_space<hbm>> -> memref<1x4096xf32, #tpu.memory_space<hbm>>
      %dma_wait3A_135 = tpu.memref_squeeze %dma_wait3A_134 : memref<1x4096xf32, #tpu.memory_space<hbm>> -> memref<4096xf32, #tpu.memory_space<hbm>>
      tpu.wait_dma2 semaphore(%arg12 : memref<!tpu.dma_semaphore, #tpu.memory_space<semaphore_mem>>) src(%dma_wait3A_135 : memref<4096xf32, #tpu.memory_space<hbm>>) dst(%dma_wait3A_132 : memref<4096xf32, #tpu.memory_space<vmem>>)
      %dma_wait3A_136 = arith.constant 0 : i32
      %dma_wait3A_137 = tpu.memref_slice %arg10[%dma_wait3A_136] : memref<8192xf32, #tpu.memory_space<vmem>> -> memref<4096xf32, #tpu.memory_space<vmem>>
      %dma_wait3A_138 = arith.constant 0 : i32
      %dma_wait3A_139 = tpu.memref_slice %arg4[%add3A_125, %dma_wait3A_138] : memref<1024x8192xf32, #tpu.memory_space<hbm>> -> memref<1x4096xf32, #tpu.memory_space<hbm>>
      %dma_wait3A_140 = tpu.memref_squeeze %dma_wait3A_139 : memref<1x4096xf32, #tpu.memory_space<hbm>> -> memref<4096xf32, #tpu.memory_space<hbm>>
      %dma_wait3A_141 = arith.constant 0 : i32
      %dma_wait3A_142 = tpu.memref_slice %arg10[%dma_wait3A_141] : memref<8192xf32, #tpu.memory_space<vmem>> -> memref<4096xf32, #tpu.memory_space<vmem>>
      %dma_wait3A_143 = arith.constant 0 : i32
      %dma_wait3A_144 = tpu.memref_slice %arg4[%add3A_125, %dma_wait3A_143] : memref<1024x8192xf32, #tpu.memory_space<hbm>> -> memref<1x4096xf32, #tpu.memory_space<hbm>>
      %dma_wait3A_145 = tpu.memref_squeeze %dma_wait3A_144 : memref<1x4096xf32, #tpu.memory_space<hbm>> -> memref<4096xf32, #tpu.memory_space<hbm>>
      tpu.wait_dma2 semaphore(%arg12 : memref<!tpu.dma_semaphore, #tpu.memory_space<semaphore_mem>>) src(%dma_wait3A_145 : memref<4096xf32, #tpu.memory_space<hbm>>) dst(%dma_wait3A_142 : memref<4096xf32, #tpu.memory_space<vmem>>)
      %parallel_loop3A = arith.constant 0 : i32
      %parallel_loop3A_146 = arith.constant 4096 : i32
      %parallel_loop3A_147 = arith.constant 16 : i32
      scf.for %parallel_loop3A_200 = %parallel_loop3A to %parallel_loop3A_146 step %parallel_loop3A_147  : i32 {
        %parallel_loop3A_201 = arith.index_cast %parallel_loop3A_200 : i32 to index
        %parallel_loop3A_202 = tpu.vector_load %arg7[%parallel_loop3A_201] {strides = array<i32>} : memref<8192xi32, #tpu.memory_space<vmem>>, vector<16xi32>,
        %parallel_loop3A_203 = arith.constant 65535 : i32
        %parallel_loop3A_204 = vector.broadcast %parallel_loop3A_203 : i32 to vector<16xi32>
        %parallel_loop3A_205 = arith.andi %parallel_loop3A_202, %parallel_loop3A_204 : vector<16xi32>
        %parallel_loop3A_206 = vector.broadcast %mul3A_123 : i32 to vector<16xi32>
        %parallel_loop3A_207 = arith.addi %parallel_loop3A_205, %parallel_loop3A_206 : vector<16xi32>
        %parallel_loop3A_208 = arith.constant 16 : i32
        %parallel_loop3A_209 = vector.broadcast %parallel_loop3A_208 : i32 to vector<16xi32>
        %parallel_loop3A_210 = arith.shrui %parallel_loop3A_202, %parallel_loop3A_209 : vector<16xi32>
        %parallel_loop3A_211 = vector.broadcast %mul3A_123 : i32 to vector<16xi32>
        %parallel_loop3A_212 = arith.addi %parallel_loop3A_210, %parallel_loop3A_211 : vector<16xi32>
        %parallel_loop3A_213 = arith.index_cast %parallel_loop3A_200 : i32 to index
        %parallel_loop3A_214 = tpu.vector_load %arg9[%parallel_loop3A_213] {strides = array<i32>} : memref<8192xf32, #tpu.memory_space<vmem>>, vector<16xf32>,
        tpu.vector_store_idx %arg8[%parallel_loop3A_207], %parallel_loop3A_214 {add = true} : memref<98304xf32, #tpu.memory_space<vmem>>[vector<16xi32>], vector<16xf32>,
        %parallel_loop3A_215 = arith.index_cast %parallel_loop3A_200 : i32 to index
        %parallel_loop3A_216 = tpu.vector_load %arg10[%parallel_loop3A_215] {strides = array<i32>} : memref<8192xf32, #tpu.memory_space<vmem>>, vector<16xf32>,
        tpu.vector_store_idx %arg8[%parallel_loop3A_212], %parallel_loop3A_216 {add = true} : memref<98304xf32, #tpu.memory_space<vmem>>[vector<16xi32>], vector<16xf32>,
      } {sc.loop_unroll_factor = 8 : i64, sc.parallel_access}
      %add3A_148 = arith.constant 1 : i32
      %add3A_149 = arith.addi %scan3A_98, %add3A_148 : i32
      %lt3A_150 = arith.constant 32 : i32
      %lt3A_151 = arith.cmpi slt, %add3A_149, %lt3A_150 : i32
      %convert_element_type3A_152 = arith.extui %lt3A_151 : i1 to i32
      %cond3A_153 = arith.constant 0 : i32
      %cond3A_154 = arith.cmpi ne, %convert_element_type3A_152, %cond3A_153 : i32
      scf.if %cond3A_154 {
        %add3A_200 = arith.constant 1 : i32
        %add3A_201 = arith.addi %scan3A_98, %add3A_200 : i32
        %add3A_202 = arith.addi %mul3A_2, %add3A_201 : i32
        %add3A_203 = arith.addi %mul3A_2, %add3A_201 : i32
        %dma_start3A_204 = arith.constant 0 : i32
        %dma_start3A_205 = tpu.memref_slice %arg9[%dma_start3A_204] : memref<8192xf32, #tpu.memory_space<vmem>> -> memref<4096xf32, #tpu.memory_space<vmem>>
        %dma_start3A_206 = arith.constant 0 : i32
        %dma_start3A_207 = tpu.memref_slice %arg3[%add3A_202, %dma_start3A_206] : memref<1024x8192xf32, #tpu.memory_space<hbm>> -> memref<1x4096xf32, #tpu.memory_space<hbm>>
        %dma_start3A_208 = tpu.memref_squeeze %dma_start3A_207 : memref<1x4096xf32, #tpu.memory_space<hbm>> -> memref<4096xf32, #tpu.memory_space<hbm>>
        %dma_start3A_209 = arith.constant 0 : i32
        %dma_start3A_210 = tpu.memref_slice %arg9[%dma_start3A_209] : memref<8192xf32, #tpu.memory_space<vmem>> -> memref<4096xf32, #tpu.memory_space<vmem>>
        %dma_start3A_211 = arith.constant 0 : i32
        %dma_start3A_212 = tpu.memref_slice %arg3[%add3A_202, %dma_start3A_211] : memref<1024x8192xf32, #tpu.memory_space<hbm>> -> memref<1x4096xf32, #tpu.memory_space<hbm>>
        %dma_start3A_213 = tpu.memref_squeeze %dma_start3A_212 : memref<1x4096xf32, #tpu.memory_space<hbm>> -> memref<4096xf32, #tpu.memory_space<hbm>>
        tpu.enqueue_dma source(%dma_start3A_213 : memref<4096xf32, #tpu.memory_space<hbm>>) target(%dma_start3A_210 : memref<4096xf32, #tpu.memory_space<vmem>>) target_semaphore(%arg12 : memref<!tpu.dma_semaphore, #tpu.memory_space<semaphore_mem>>)
        %dma_start3A_214 = arith.constant 0 : i32
        %dma_start3A_215 = tpu.memref_slice %arg10[%dma_start3A_214] : memref<8192xf32, #tpu.memory_space<vmem>> -> memref<4096xf32, #tpu.memory_space<vmem>>
        %dma_start3A_216 = arith.constant 0 : i32
        %dma_start3A_217 = tpu.memref_slice %arg4[%add3A_203, %dma_start3A_216] : memref<1024x8192xf32, #tpu.memory_space<hbm>> -> memref<1x4096xf32, #tpu.memory_space<hbm>>
        %dma_start3A_218 = tpu.memref_squeeze %dma_start3A_217 : memref<1x4096xf32, #tpu.memory_space<hbm>> -> memref<4096xf32, #tpu.memory_space<hbm>>
        %dma_start3A_219 = arith.constant 0 : i32
        %dma_start3A_220 = tpu.memref_slice %arg10[%dma_start3A_219] : memref<8192xf32, #tpu.memory_space<vmem>> -> memref<4096xf32, #tpu.memory_space<vmem>>
        %dma_start3A_221 = arith.constant 0 : i32
        %dma_start3A_222 = tpu.memref_slice %arg4[%add3A_203, %dma_start3A_221] : memref<1024x8192xf32, #tpu.memory_space<hbm>> -> memref<1x4096xf32, #tpu.memory_space<hbm>>
        %dma_start3A_223 = tpu.memref_squeeze %dma_start3A_222 : memref<1x4096xf32, #tpu.memory_space<hbm>> -> memref<4096xf32, #tpu.memory_space<hbm>>
        tpu.enqueue_dma source(%dma_start3A_223 : memref<4096xf32, #tpu.memory_space<hbm>>) target(%dma_start3A_220 : memref<4096xf32, #tpu.memory_space<vmem>>) target_semaphore(%arg12 : memref<!tpu.dma_semaphore, #tpu.memory_space<semaphore_mem>>)
      } else {
      }
      %add3A_155 = arith.addi %mul3A_2, %scan3A_98 : i32
      %add3A_156 = arith.addi %mul3A_2, %scan3A_98 : i32
      %dma_wait3A_157 = arith.constant 4096 : i32
      %dma_wait3A_158 = tpu.memref_slice %arg9[%dma_wait3A_157] : memref<8192xf32, #tpu.memory_space<vmem>> -> memref<4096xf32, #tpu.memory_space<vmem>>
      %dma_wait3A_159 = arith.constant 4096 : i32
      %dma_wait3A_160 = tpu.memref_slice %arg3[%add3A_155, %dma_wait3A_159] : memref<1024x8192xf32, #tpu.memory_space<hbm>> -> memref<1x4096xf32, #tpu.memory_space<hbm>>
      %dma_wait3A_161 = tpu.memref_squeeze %dma_wait3A_160 : memref<1x4096xf32, #tpu.memory_space<hbm>> -> memref<4096xf32, #tpu.memory_space<hbm>>
      %dma_wait3A_162 = arith.constant 4096 : i32
      %dma_wait3A_163 = tpu.memref_slice %arg9[%dma_wait3A_162] : memref<8192xf32, #tpu.memory_space<vmem>> -> memref<4096xf32, #tpu.memory_space<vmem>>
      %dma_wait3A_164 = arith.constant 4096 : i32
      %dma_wait3A_165 = tpu.memref_slice %arg3[%add3A_155, %dma_wait3A_164] : memref<1024x8192xf32, #tpu.memory_space<hbm>> -> memref<1x4096xf32, #tpu.memory_space<hbm>>
      %dma_wait3A_166 = tpu.memref_squeeze %dma_wait3A_165 : memref<1x4096xf32, #tpu.memory_space<hbm>> -> memref<4096xf32, #tpu.memory_space<hbm>>
      tpu.wait_dma2 semaphore(%arg12 : memref<!tpu.dma_semaphore, #tpu.memory_space<semaphore_mem>>) src(%dma_wait3A_166 : memref<4096xf32, #tpu.memory_space<hbm>>) dst(%dma_wait3A_163 : memref<4096xf32, #tpu.memory_space<vmem>>)
      %dma_wait3A_167 = arith.constant 4096 : i32
      %dma_wait3A_168 = tpu.memref_slice %arg10[%dma_wait3A_167] : memref<8192xf32, #tpu.memory_space<vmem>> -> memref<4096xf32, #tpu.memory_space<vmem>>
      %dma_wait3A_169 = arith.constant 4096 : i32
      %dma_wait3A_170 = tpu.memref_slice %arg4[%add3A_156, %dma_wait3A_169] : memref<1024x8192xf32, #tpu.memory_space<hbm>> -> memref<1x4096xf32, #tpu.memory_space<hbm>>
      %dma_wait3A_171 = tpu.memref_squeeze %dma_wait3A_170 : memref<1x4096xf32, #tpu.memory_space<hbm>> -> memref<4096xf32, #tpu.memory_space<hbm>>
      %dma_wait3A_172 = arith.constant 4096 : i32
      %dma_wait3A_173 = tpu.memref_slice %arg10[%dma_wait3A_172] : memref<8192xf32, #tpu.memory_space<vmem>> -> memref<4096xf32, #tpu.memory_space<vmem>>
      %dma_wait3A_174 = arith.constant 4096 : i32
      %dma_wait3A_175 = tpu.memref_slice %arg4[%add3A_156, %dma_wait3A_174] : memref<1024x8192xf32, #tpu.memory_space<hbm>> -> memref<1x4096xf32, #tpu.memory_space<hbm>>
      %dma_wait3A_176 = tpu.memref_squeeze %dma_wait3A_175 : memref<1x4096xf32, #tpu.memory_space<hbm>> -> memref<4096xf32, #tpu.memory_space<hbm>>
      tpu.wait_dma2 semaphore(%arg12 : memref<!tpu.dma_semaphore, #tpu.memory_space<semaphore_mem>>) src(%dma_wait3A_176 : memref<4096xf32, #tpu.memory_space<hbm>>) dst(%dma_wait3A_173 : memref<4096xf32, #tpu.memory_space<vmem>>)
      %parallel_loop3A_177 = arith.constant 4096 : i32
      %parallel_loop3A_178 = arith.constant 8192 : i32
      %parallel_loop3A_179 = arith.constant 16 : i32
      scf.for %parallel_loop3A_200 = %parallel_loop3A_177 to %parallel_loop3A_178 step %parallel_loop3A_179  : i32 {
        %parallel_loop3A_201 = arith.index_cast %parallel_loop3A_200 : i32 to index
        %parallel_loop3A_202 = tpu.vector_load %arg7[%parallel_loop3A_201] {strides = array<i32>} : memref<8192xi32, #tpu.memory_space<vmem>>, vector<16xi32>,
        %parallel_loop3A_203 = arith.constant 65535 : i32
        %parallel_loop3A_204 = vector.broadcast %parallel_loop3A_203 : i32 to vector<16xi32>
        %parallel_loop3A_205 = arith.andi %parallel_loop3A_202, %parallel_loop3A_204 : vector<16xi32>
        %parallel_loop3A_206 = vector.broadcast %mul3A_123 : i32 to vector<16xi32>
        %parallel_loop3A_207 = arith.addi %parallel_loop3A_205, %parallel_loop3A_206 : vector<16xi32>
        %parallel_loop3A_208 = arith.constant 16 : i32
        %parallel_loop3A_209 = vector.broadcast %parallel_loop3A_208 : i32 to vector<16xi32>
        %parallel_loop3A_210 = arith.shrui %parallel_loop3A_202, %parallel_loop3A_209 : vector<16xi32>
        %parallel_loop3A_211 = vector.broadcast %mul3A_123 : i32 to vector<16xi32>
        %parallel_loop3A_212 = arith.addi %parallel_loop3A_210, %parallel_loop3A_211 : vector<16xi32>
        %parallel_loop3A_213 = arith.index_cast %parallel_loop3A_200 : i32 to index
        %parallel_loop3A_214 = tpu.vector_load %arg9[%parallel_loop3A_213] {strides = array<i32>} : memref<8192xf32, #tpu.memory_space<vmem>>, vector<16xf32>,
        tpu.vector_store_idx %arg8[%parallel_loop3A_207], %parallel_loop3A_214 {add = true} : memref<98304xf32, #tpu.memory_space<vmem>>[vector<16xi32>], vector<16xf32>,
        %parallel_loop3A_215 = arith.index_cast %parallel_loop3A_200 : i32 to index
        %parallel_loop3A_216 = tpu.vector_load %arg10[%parallel_loop3A_215] {strides = array<i32>} : memref<8192xf32, #tpu.memory_space<vmem>>, vector<16xf32>,
        tpu.vector_store_idx %arg8[%parallel_loop3A_212], %parallel_loop3A_216 {add = true} : memref<98304xf32, #tpu.memory_space<vmem>>[vector<16xi32>], vector<16xf32>,
      } {sc.loop_unroll_factor = 8 : i64, sc.parallel_access}
      %add3A_180 = arith.constant 1 : i32
      %add3A_181 = arith.addi %scan3A_98, %add3A_180 : i32
      %lt3A_182 = arith.constant 32 : i32
      %lt3A_183 = arith.cmpi slt, %add3A_181, %lt3A_182 : i32
      %convert_element_type3A_184 = arith.extui %lt3A_183 : i1 to i32
      %cond3A_185 = arith.constant 0 : i32
      %cond3A_186 = arith.cmpi ne, %convert_element_type3A_184, %cond3A_185 : i32
      scf.if %cond3A_186 {
        %add3A_200 = arith.constant 1 : i32
        %add3A_201 = arith.addi %scan3A_98, %add3A_200 : i32
        %add3A_202 = arith.addi %mul3A_2, %add3A_201 : i32
        %add3A_203 = arith.addi %mul3A_2, %add3A_201 : i32
        %dma_start3A_204 = arith.constant 4096 : i32
        %dma_start3A_205 = tpu.memref_slice %arg9[%dma_start3A_204] : memref<8192xf32, #tpu.memory_space<vmem>> -> memref<4096xf32, #tpu.memory_space<vmem>>
        %dma_start3A_206 = arith.constant 4096 : i32
        %dma_start3A_207 = tpu.memref_slice %arg3[%add3A_202, %dma_start3A_206] : memref<1024x8192xf32, #tpu.memory_space<hbm>> -> memref<1x4096xf32, #tpu.memory_space<hbm>>
        %dma_start3A_208 = tpu.memref_squeeze %dma_start3A_207 : memref<1x4096xf32, #tpu.memory_space<hbm>> -> memref<4096xf32, #tpu.memory_space<hbm>>
        %dma_start3A_209 = arith.constant 4096 : i32
        %dma_start3A_210 = tpu.memref_slice %arg9[%dma_start3A_209] : memref<8192xf32, #tpu.memory_space<vmem>> -> memref<4096xf32, #tpu.memory_space<vmem>>
        %dma_start3A_211 = arith.constant 4096 : i32
        %dma_start3A_212 = tpu.memref_slice %arg3[%add3A_202, %dma_start3A_211] : memref<1024x8192xf32, #tpu.memory_space<hbm>> -> memref<1x4096xf32, #tpu.memory_space<hbm>>
        %dma_start3A_213 = tpu.memref_squeeze %dma_start3A_212 : memref<1x4096xf32, #tpu.memory_space<hbm>> -> memref<4096xf32, #tpu.memory_space<hbm>>
        tpu.enqueue_dma source(%dma_start3A_213 : memref<4096xf32, #tpu.memory_space<hbm>>) target(%dma_start3A_210 : memref<4096xf32, #tpu.memory_space<vmem>>) target_semaphore(%arg12 : memref<!tpu.dma_semaphore, #tpu.memory_space<semaphore_mem>>)
        %dma_start3A_214 = arith.constant 4096 : i32
        %dma_start3A_215 = tpu.memref_slice %arg10[%dma_start3A_214] : memref<8192xf32, #tpu.memory_space<vmem>> -> memref<4096xf32, #tpu.memory_space<vmem>>
        %dma_start3A_216 = arith.constant 4096 : i32
        %dma_start3A_217 = tpu.memref_slice %arg4[%add3A_203, %dma_start3A_216] : memref<1024x8192xf32, #tpu.memory_space<hbm>> -> memref<1x4096xf32, #tpu.memory_space<hbm>>
        %dma_start3A_218 = tpu.memref_squeeze %dma_start3A_217 : memref<1x4096xf32, #tpu.memory_space<hbm>> -> memref<4096xf32, #tpu.memory_space<hbm>>
        %dma_start3A_219 = arith.constant 4096 : i32
        %dma_start3A_220 = tpu.memref_slice %arg10[%dma_start3A_219] : memref<8192xf32, #tpu.memory_space<vmem>> -> memref<4096xf32, #tpu.memory_space<vmem>>
        %dma_start3A_221 = arith.constant 4096 : i32
        %dma_start3A_222 = tpu.memref_slice %arg4[%add3A_203, %dma_start3A_221] : memref<1024x8192xf32, #tpu.memory_space<hbm>> -> memref<1x4096xf32, #tpu.memory_space<hbm>>
        %dma_start3A_223 = tpu.memref_squeeze %dma_start3A_222 : memref<1x4096xf32, #tpu.memory_space<hbm>> -> memref<4096xf32, #tpu.memory_space<hbm>>
        tpu.enqueue_dma source(%dma_start3A_223 : memref<4096xf32, #tpu.memory_space<hbm>>) target(%dma_start3A_220 : memref<4096xf32, #tpu.memory_space<vmem>>) target_semaphore(%arg12 : memref<!tpu.dma_semaphore, #tpu.memory_space<semaphore_mem>>)
      } else {
      }
      %rem3A_187 = arith.constant 3 : i32
      %rem3A_188 = arith.remsi %scan3A_98, %rem3A_187 : i32
      %mul3A_189 = arith.constant 32768 : i32
      %mul3A_190 = arith.muli %rem3A_188, %mul3A_189 : i32
      %add3A_191 = arith.addi %mul3A_2, %scan3A_98 : i32
      %dma_start3A_192 = tpu.memref_slice %arg8[%mul3A_190] : memref<98304xf32, #tpu.memory_space<vmem>> -> memref<32768xf32, #tpu.memory_space<vmem>>
      %dma_start3A_193 = arith.constant 0 : i32
      %dma_start3A_194 = tpu.memref_slice %arg6[%add3A_191, %dma_start3A_193] : memref<1024x32768xf32, #tpu.memory_space<hbm>> -> memref<1x32768xf32, #tpu.memory_space<hbm>>
      %dma_start3A_195 = tpu.memref_squeeze %dma_start3A_194 : memref<1x32768xf32, #tpu.memory_space<hbm>> -> memref<32768xf32, #tpu.memory_space<hbm>>
      %dma_start3A_196 = arith.constant 0 : i32
      %dma_start3A_197 = tpu.memref_slice %arg6[%add3A_191, %dma_start3A_196] : memref<1024x32768xf32, #tpu.memory_space<hbm>> -> memref<1x32768xf32, #tpu.memory_space<hbm>>
      %dma_start3A_198 = tpu.memref_squeeze %dma_start3A_197 : memref<1x32768xf32, #tpu.memory_space<hbm>> -> memref<32768xf32, #tpu.memory_space<hbm>>
      %dma_start3A_199 = tpu.memref_slice %arg8[%mul3A_190] : memref<98304xf32, #tpu.memory_space<vmem>> -> memref<32768xf32, #tpu.memory_space<vmem>>
      tpu.enqueue_dma source(%dma_start3A_199 : memref<32768xf32, #tpu.memory_space<vmem>>) target(%dma_start3A_198 : memref<32768xf32, #tpu.memory_space<hbm>>) target_semaphore(%arg13 : memref<!tpu.dma_semaphore, #tpu.memory_space<semaphore_mem>>)
    }
    %scan3A_68 = arith.constant 32 : i32
    %rem3A_69 = arith.constant 30 : i32
    %rem3A_70 = arith.constant 3 : i32
    %rem3A_71 = arith.remsi %rem3A_69, %rem3A_70 : i32
    %mul3A_72 = arith.constant 32768 : i32
    %mul3A_73 = arith.muli %rem3A_71, %mul3A_72 : i32
    %add3A_74 = arith.constant 30 : i32
    %add3A_75 = arith.addi %mul3A_2, %add3A_74 : i32
    %dma_wait3A = tpu.memref_slice %arg8[%mul3A_73] : memref<98304xf32, #tpu.memory_space<vmem>> -> memref<32768xf32, #tpu.memory_space<vmem>>
    %dma_wait3A_76 = arith.constant 0 : i32
    %dma_wait3A_77 = tpu.memref_slice %arg6[%add3A_75, %dma_wait3A_76] : memref<1024x32768xf32, #tpu.memory_space<hbm>> -> memref<1x32768xf32, #tpu.memory_space<hbm>>
    %dma_wait3A_78 = tpu.memref_squeeze %dma_wait3A_77 : memref<1x32768xf32, #tpu.memory_space<hbm>> -> memref<32768xf32, #tpu.memory_space<hbm>>
    %dma_wait3A_79 = arith.constant 0 : i32
    %dma_wait3A_80 = tpu.memref_slice %arg6[%add3A_75, %dma_wait3A_79] : memref<1024x32768xf32, #tpu.memory_space<hbm>> -> memref<1x32768xf32, #tpu.memory_space<hbm>>
    %dma_wait3A_81 = tpu.memref_squeeze %dma_wait3A_80 : memref<1x32768xf32, #tpu.memory_space<hbm>> -> memref<32768xf32, #tpu.memory_space<hbm>>
    %dma_wait3A_82 = tpu.memref_slice %arg8[%mul3A_73] : memref<98304xf32, #tpu.memory_space<vmem>> -> memref<32768xf32, #tpu.memory_space<vmem>>
    tpu.wait_dma2 semaphore(%arg13 : memref<!tpu.dma_semaphore, #tpu.memory_space<semaphore_mem>>) src(%dma_wait3A_82 : memref<32768xf32, #tpu.memory_space<vmem>>) dst(%dma_wait3A_81 : memref<32768xf32, #tpu.memory_space<hbm>>)
    %rem3A_83 = arith.constant 31 : i32
    %rem3A_84 = arith.constant 3 : i32
    %rem3A_85 = arith.remsi %rem3A_83, %rem3A_84 : i32
    %mul3A_86 = arith.constant 32768 : i32
    %mul3A_87 = arith.muli %rem3A_85, %mul3A_86 : i32
    %add3A_88 = arith.constant 31 : i32
    %add3A_89 = arith.addi %mul3A_2, %add3A_88 : i32
    %dma_wait3A_90 = tpu.memref_slice %arg8[%mul3A_87] : memref<98304xf32, #tpu.memory_space<vmem>> -> memref<32768xf32, #tpu.memory_space<vmem>>
    %dma_wait3A_91 = arith.constant 0 : i32
    %dma_wait3A_92 = tpu.memref_slice %arg6[%add3A_89, %dma_wait3A_91] : memref<1024x32768xf32, #tpu.memory_space<hbm>> -> memref<1x32768xf32, #tpu.memory_space<hbm>>
    %dma_wait3A_93 = tpu.memref_squeeze %dma_wait3A_92 : memref<1x32768xf32, #tpu.memory_space<hbm>> -> memref<32768xf32, #tpu.memory_space<hbm>>
    %dma_wait3A_94 = arith.constant 0 : i32
    %dma_wait3A_95 = tpu.memref_slice %arg6[%add3A_89, %dma_wait3A_94] : memref<1024x32768xf32, #tpu.memory_space<hbm>> -> memref<1x32768xf32, #tpu.memory_space<hbm>>
    %dma_wait3A_96 = tpu.memref_squeeze %dma_wait3A_95 : memref<1x32768xf32, #tpu.memory_space<hbm>> -> memref<32768xf32, #tpu.memory_space<hbm>>
    %dma_wait3A_97 = tpu.memref_slice %arg8[%mul3A_87] : memref<98304xf32, #tpu.memory_space<vmem>> -> memref<32768xf32, #tpu.memory_space<vmem>>
    tpu.wait_dma2 semaphore(%arg13 : memref<!tpu.dma_semaphore, #tpu.memory_space<semaphore_mem>>) src(%dma_wait3A_97 : memref<32768xf32, #tpu.memory_space<vmem>>) dst(%dma_wait3A_96 : memref<32768xf32, #tpu.memory_space<hbm>>)
    return
  }
}

</mosaic_0001>

<sc_bundles>
// kernel: kernel.3.cloned.1.call-start
scs
__scs_entry_jumppad:
0x0: {  	(pc) =	sbr.rel $0x88, $3  }
0x1: {  	(tag) =	ssettag $0x0;
	lr =	simm.s32 $0x1  }
0x2: {  	[smem:$0x3F9C] =	sst lr;
	_ =	strace $0xD0000000  }
0x3: {  	_ = 	snop  }
0x4: {  	_ = 	snop  }
0x5: {  	_ = 	snop  }
0x6: {  	_ = 	snop  }
0x7: {  	_ = 	snop  }
__scs_overlays_trampoline_lowered:
0x8: {  	[smem:$0x3FAB] =	sst s0  }
0x9: {  	[smem:$0x3FAC] =	sst s1  }
0xa: {  	[smem:$0x3FAD] =	sst s2  }
0xb: {  	[smem:$0x3FAE] =	sst s3  }
0xc: {  	[smem:$0x3FAF] =	sst s4  }
0xd: {  	[smem:$0x3FB0] =	sst s5  }
0xe: {  	[smem:$0x3FB1] =	sst s6  }
0xf: {  	[smem:$0x3FB2] =	sst s7  }
0x10: {  	[smem:$0x3FB3] =	sst s8  }
0x11: {  	[smem:$0x3FB4] =	sst s9;
	s0 =	simm.s32 @!p0 $0x0  }
0x12: {  	s1 =	sld [smem:$0x3F9A];
	s0 =	simm.s32 @p0 $0x1  }
0x13: {  	[smem:$0x3FB5] =	sst s0;
	s0 =	simm.s32 @!p1 $0x0  }
0x14: {  	s2 =	sld [smem:$0x3F99];
	s0 =	simm.s32 @p1 $0x1  }
0x15: {  	[smem:$0x3FB6] =	sst s0;
	s0 =	simm.s32 @!p2 $0x0  }
0x16: {  	s3 =	sld [smem:$0x3FDB];
	s0 =	simm.s32 @p2 $0x1  }
0x17: {  	s4 =	simm.s32 $0x1BF5;
	[smem:$0x3FB8] =	sst s0  }
0x18: {  	s0 =	sld [smem:$0x3F9B];
	_ =	swait.ge [sflag:s4], $0x0  }
0x19: {  	s7 =	sld [smem:$0x3F9C]  }
0x1a: {  	s8 =	sadd.s32 $0xFFFFE003, lr  }
0x1b: {  	s9 =	sadd.s32 $0xFFFFFEF7, lr;
	s5 =	simm.s32 $0xFFFFFFFF;
	p2 =	slt.u32 s8, $0xFFFFF086  }
0x1c: {  	p1 =	slt.u32 s9, $0xF7A;
	s5 =	simm.s32 @!p2 $0x0  }
0x1d: {  	s5 =	simm.s32 @p1 $0x1;
	p0 =	seq.s32 s7, s2  }
0x1e: {  	s7 =	smul.u32 @!p0 $0xF7A, s2;
	p2 =	seq.s32 @!p0 s5, $0x0  }
0x1f: {  	s9 =	smul.u32 $0xF7A, s1;
	s8 =	simm.s32 @!p0 $0x1BF5;
	p2 =	por !p2, p0  }
0x20: {  	[sflag:s8] =	ssyncset.s32 @!p0 $0xFFFFF086;
	s6 =	sadd.s32 @!p0 s3, s7;
	s7 =	simm.s32 @!p0 $0x108  }
0x21: {  	s3 =	sadd.s32 s3, s9;
	s6 =	sadd.s32 @!p0 $0x88, s6;
	s7 =	simm.s32 @p2 $0x1082  }
0x22: {  	[simem:s7], [sflag:s8] =	dma.local @!p0 [hbm:s6], $0xF7A  }
0x23: {  	s9 =	sor.u32 $0xD0000000, s2;
	s6 =	simm.s32 $0x108;
	_ =	swait.ge @!p0 [sflag:s8], $0x0  }
0x24: {  	s3 =	sadd.s32 $0x88, s3;
	s6 =	simm.s32 @!p1 $0x1082;
	[sflag:s4] =	ssyncset.s32 $0xFFFFF086  }
0x25: {  	[simem:s6], [sflag:s4] =	dma.local [hbm:s3], $0xF7A  }
0x26: {  	[smem:$0x3F9C] =	sst s1;
	(tag) =	ssettag s2;
	_ =	strace s9  }
0x27: {  	s1 =	sld [smem:$0x3FAC]  }
0x28: {  	s2 =	sld [smem:$0x3FAD]  }
0x29: {  	s4 =	sld [smem:$0x3FAF]  }
0x2a: {  	p0 =	seq.s32 s5, $0x0;
	s5 =	sld [smem:$0x3FB0]  }
0x2b: {  	s6 =	sld [smem:$0x3FB1]  }
0x2c: {  	s7 =	sld [smem:$0x3FB2]  }
0x2d: {  	s3 =	simm.s32 $0x108;
	s8 =	sld [smem:$0x3FB3]  }
0x2e: {  	s3 =	simm.s32 @!p0 $0x1082;
	s9 =	sld [smem:$0x3FB4]  }
0x2f: {  	lr =	sadd.s32 s0, s3;
	s0 =	sld [smem:$0x3FAB]  }
0x30: {  	s3 =	sld [smem:$0x3FAE]  }
0x31: {  	[smem:$0x3FB7] =	sst s10  }
0x32: {  	s10 =	sld [smem:$0x3FB5];
	_ =	sdelay $0x3  }
0x33: {  	p0 =	seq.s32 s10, $0x1;
	s10 =	sld [smem:$0x3FB7];
	_ =	sdelay $0x3  }
0x34: {  	[smem:$0x3FB7] =	sst s10  }
0x35: {  	s10 =	sld [smem:$0x3FB6];
	_ =	sdelay $0x3  }
0x36: {  	p1 =	seq.s32 s10, $0x1;
	s10 =	sld [smem:$0x3FB7];
	_ =	sdelay $0x3  }
0x37: {  	[smem:$0x3FB7] =	sst s10  }
0x38: {  	s10 =	sld [smem:$0x3FB8]  }
0x39: {  	_ = 	snop;
	(pc) =	sbr.ind lr, $3  }
0x3a: {  	_ = 	snop  }
0x3b: {  	_ = 	snop  }
0x3c: {  	p2 =	seq.s32 s10, $0x1;
	s10 =	sld [smem:$0x3FB7]  }
0x3d: {  	_ =	shalt  }
0x3e: {  	_ =	shalt  }
0x3f: {  	_ =	shalt  }
0x40: {  	_ =	shalt  }
0x41: {  	_ =	shalt  }
0x42: {  	_ =	shalt  }
0x43: {  	_ =	shalt  }
0x44: {  	_ =	shalt  }
0x45: {  	_ =	shalt  }
0x46: {  	_ =	shalt  }
0x47: {  	_ =	shalt  }
0x48: {  	_ =	shalt  }
0x49: {  	_ =	shalt  }
0x4a: {  	_ =	shalt  }
0x4b: {  	_ =	shalt  }
0x4c: {  	_ =	shalt  }
0x4d: {  	_ =	shalt  }
0x4e: {  	_ =	shalt  }
0x4f: {  	_ =	shalt  }
0x50: {  	_ =	shalt  }
0x51: {  	_ =	shalt  }
0x52: {  	_ =	shalt  }
0x53: {  	_ =	shalt  }
0x54: {  	_ =	shalt  }
0x55: {  	_ =	shalt  }
0x56: {  	_ =	shalt  }
0x57: {  	_ =	shalt  }
0x58: {  	_ =	shalt  }
0x59: {  	_ =	shalt  }
0x5a: {  	_ =	shalt  }
0x5b: {  	_ =	shalt  }
0x5c: {  	_ =	shalt  }
0x5d: {  	_ =	shalt  }
0x5e: {  	_ =	shalt  }
0x5f: {  	_ =	shalt  }
0x60: {  	_ =	shalt  }
0x61: {  	_ =	shalt  }
0x62: {  	_ =	shalt  }
0x63: {  	_ =	shalt  }
0x64: {  	_ =	shalt  }
0x65: {  	_ =	shalt  }
0x66: {  	_ =	shalt  }
0x67: {  	_ =	shalt  }
0x68: {  	_ =	shalt  }
0x69: {  	_ =	shalt  }
0x6a: {  	_ =	shalt  }
0x6b: {  	_ =	shalt  }
0x6c: {  	_ =	shalt  }
0x6d: {  	_ =	shalt  }
0x6e: {  	_ =	shalt  }
0x6f: {  	_ =	shalt  }
0x70: {  	_ =	shalt  }
0x71: {  	_ =	shalt  }
0x72: {  	_ =	shalt  }
0x73: {  	_ =	shalt  }
0x74: {  	_ =	shalt  }
0x75: {  	_ =	shalt  }
0x76: {  	_ =	shalt  }
0x77: {  	_ =	shalt  }
0x78: {  	_ =	shalt  }
0x79: {  	_ =	shalt  }
0x7a: {  	_ =	shalt  }
0x7b: {  	_ =	shalt  }
0x7c: {  	_ =	shalt  }
0x7d: {  	_ =	shalt  }
0x7e: {  	_ =	shalt  }
0x7f: {  	_ =	shalt  }
0x80: {  	_ =	shalt  }
0x81: {  	_ =	shalt  }
0x82: {  	_ =	shalt  }
0x83: {  	_ =	shalt  }
0x84: {  	_ =	shalt  }
0x85: {  	_ =	shalt  }
0x86: {  	_ =	shalt  }
0x87: {  	_ =	shalt  }
.Lfunc_end0:
.L_simem_size_0:
called_computation_lowered:
.L_overlay_start_0:
0x88: {  	s2 =	sld [smem:$0x3FD9]  }
0x89: {  	s3 =	sld [smem:$0x3FFE];
	_ =	sdelay $0x1  }
0x8a: {  	s1 =	srdreg.scid  }
0x8b: {  	s0 =	sand.u32 $0x1, s1  }
0x8c: {  	s17 =	sshll.u32 s0, $0xA;
	s2 =	sadd.s32 s3, s2  }
0x8d: {  	s2 =	sadd.s32 s2, s17  }
0x8e: {  	[smem:$0x3FC3] =	sst s2  }
0x8f: {  	_ = 	snop  }
0x90: {  	s2 =	sld [smem:$0x3FC9]  }
0x91: {  	s18 =	sld [smem:$0x3FC8]  }
0x92: {  	s4 =	sld [smem:$0x3FC7]  }
0x93: {  	s5 =	sld [smem:$0x3FD0];
	(tm) =	ssettm $0x1  }
0x94: {  	s6 =	sld [smem:$0x3FFB];
	_ =	sdelay $0x3  }
0x95: {  	_ =	strace s6  }
0x96: {  	s6 =	sld [smem:$0x3FFC];
	_ =	sdelay $0x3  }
0x97: {  	_ =	strace s6  }
0x98: {  	s6 =	sld [smem:$0x3FFD];
	_ =	sdelay $0x3  }
0x99: {  	_ =	strace s6  }
0x9a: {  	_ =	strace $0x8FFFFFFF  }
0x9b: {  	s19 =	sld [smem:$0x3FDB];
	_ =	sdelay $0x1  }
0x9c: {  	s7 =	simm.s32 $_scs_section_size  }
0x9d: {  	s8 =	simm.s32 $_size__tile_overlayer_lowered;
	s9 =	simm.s32 $_tile_overlayer_lowered  }
0x9e: {  	s22 =	simm.s32 $0x1BFF;
	s21 =	sshll.u32 s9, $0x1;
	s6 =	sadd.s32 s7, s19  }
0x9f: {  	s10 =	simm.s32 $0x0;
	s20 =	sshll.u32 s8, $0x1;
	s8 =	sadd.s32 s21, s6  }
0xa0: {  	[timem:s10], [sflag:s22] =	dma.local [hbm:s8], s20  }
0xa1: {  	_ =	swait.ge [sflag:s22], s20  }
0xa2: {  	s7 =	ssub.s32 $0x0, s20;
	[sflag:s22] =	ssyncset.done $0x0  }
0xa3: {  	[sflag:s22] =	ssyncadd.s32 s7;
	_ =	sdelay $0x1  }
0xa4: {  	s23 =	simm.s32 $0x1B8B  }
0xa5: {  	_ =	swait.ge [sflag:s23], $0x1  }
0xa6: {  	[sflag:s23] =	ssyncset.done $0x0  }
0xa7: {  	s25 =	simm.s32 $0x1B8E;
	s24 =	sld [smem:$0x3FFE];
	[sflag:s23] =	ssyncadd.s32 $0xFFFFFFFF  }
0xa8: {  	s26 =	simm.s32 $execute0_lowered;
	[smem:$0x3FD2] =	sst s25  }
0xa9: {  	s8 =	sshll.u32 s26, $0x1;
	_ =	strace $0x80000046;
	[dreg:$0x1] =	wrdreg $0xFFFFFFFF  }
0xaa: {  	s28 =	simm.s32 $_size_execute0_lowered;
	s6 =	sadd.s32 s6, s8;
	[dreg:$0x0] =	wrdreg $0x0  }
0xab: {  	s8 =	sshll.u32 s28, $0x1;
	[dreg:$0x2] =	wrdreg s6  }
0xac: {  	[dreg:$0x3] =	wrdreg s8  }
0xad: {  	[dreg:$0x4] =	wrdreg $0xC0  }
0xae: {  	_ =	task [dreg:s10], $0x5FFFF  }
0xaf: {  	[dreg:$0x1] =	wrdreg $0xFFFFFFFF  }
0xb0: {  	[dreg:$0x0] =	wrdreg $0x60  }
0xb1: {  	[dreg:$0x2] =	wrdreg s2  }
0xb2: {  	[dreg:$0x3] =	wrdreg s18  }
0xb3: {  	[dreg:$0x4] =	wrdreg s4  }
0xb4: {  	[dreg:$0x5] =	wrdreg s24  }
0xb5: {  	[dreg:$0x6] =	wrdreg s5  }
0xb6: {  	[dreg:$0x7] =	wrdreg $0x9  }
0xb7: {  	_ =	task.clear_ibuf [dreg:s10], $0x8FFFF;
	_ =	strace $0x90000046  }
0xb8: {  	s29 =	simm.s32 $0x9;
	_ =	strace $0x80000048  }
0xb9: {  	_ =	swait.ge [sflag:s29], $0x1  }
0xba: {  	[sflag:s29] =	ssyncadd.s32 $0xFFFFFFFF  }
0xbb: {  	_ =	strace $0x90000048  }
0xbc: {  	_ =	sfence  }
0xbd: {  	s30 =	sld [smem:$0x0];
	_ =	sdelay $0x2  }
0xbe: {  	s31 =	sshll.u32 s1, $0xD;
	s1 =	sshrl.u32 s1, $0x2  }
0xbf: {  	s3 =	sand.u32 $0x4000, s31;
	s1 =	sadd.s32 s1, s30  }
0xc0: {  	s0 =	sor.u32 s3, s0;
	s1 =	sshll.u32 s1, $0x11  }
0xc1: {  	s0 =	sor.u32 s1, s0  }
0xc2: {  	s0 =	sadd.s32 $0x8F2B, s0  }
0xc3: {  	[sflag:s0] =	ssyncadd.remote.s32 $0x1  }
0xc4: {  	_ =	sfence.sel $0xFFFF  }
0xc5: {  	[dreg:$0x0] =	wrdreg $0xFFFFFFFF;
	(pc) =	sbr.abs _section_cstart, $3  }
0xc6: {  	[dreg:$0x1] =	wrdreg $0xFFFFFFFF  }
0xc7: {  	_ =	task.clear_ibuf [dreg:s10], $0x2FFFF;
	_ =	strace $0x9FFFFFFF  }
0xc8: {  	(tm) =	ssettm $0x7FFFFFFF  }
0xc9: {  	_ =	shalt  }
tec
execute0_lowered:
.L_overlay_start_1:
0x0: {  	(tag) =	ssettag $0x1  }
0x1: {  	s1 =	rddreg [dreg:$0x0]  }
0x2: {  	s2 =	rddreg [dreg:$0x1]  }
0x3: {  	s3 =	rddreg [dreg:$0x2]  }
0x4: {  	s0 =	rddreg [dreg:$0x3]  }
0x5: {  	s5 =	rddreg [dreg:$0x4];
	s4 =	srdreg.scid  }
0x6: {  	s7 =	simm.s32 $0x0;
	s6 =	stileid.u32;
	s15 =	simm.s32 $0x4  }
0x7: {  	s16 =	simm.s32 $0x80;
	s17 =	simm.s32 $0x400;
	s18 =	simm.s32 $0x2000  }
0x8: {  	s22 =	simm.s32 $0x1D000;
	s23 =	simm.s32 $0x1;
	s24 =	simm.s32 $0x2  }
0x9: {  	s25 =	simm.s32 $0x3;
	s26 =	simm.s32 $0x0;
	s4 =	sand.u32 $0x1, s4  }
0xa: {  	[smem:$0x7FF] =	sst s7;
	s6 =	sshll.u32 s6, $0x6;
	s29 =	sshll.u32 s4, $0x5  }
0xb: {  	s8 =	sadd.s32 $0x400, s0;
	s4 =	ssub.s32 $0x2, s4;
	s7 =	sor.u32 s29, s6  }
0xc: {  	_ =	strace $0x80000047;
	s30 =	sshrl.u32 s4, $0x1;
	s6 =	sshll.u32 s7, $0xC  }
0xd: {  	s0 =	ssub.s32 s4, s30;
	s31 =	sshll.u32 s7, $0xA;
	s9 =	sadd.s32 s1, s6  }
0xe: {  	s10 =	sadd.s32 s2, s31;
	s11 =	sadd.s32 s3, s31;
	s4 =	sor.u32 $0x1000, s31  }
0xf: {  	s14 =	smax.u32 s0, $0x1;
	s12 =	sadd.s32 s2, s4;
	s13 =	sadd.s32 s3, s4  }
.LBB2_1:
0x10: {  	s0 =	simm.s32 $0x0  }
0x11: {  	[tilespmem:s0], [sflag:$0x4] =	stream.linear.gather [hbm4b:s8+s0], $0x2000, $0x38;
	[tilespmem:$0x1E000] =	vst v63  }
0x12: {  	_ =	swait.ge [sflag:s15], $0x2000  }
0x13: {  	[sflag:s15] =	ssyncset.done $0x0  }
0x14: {  	[sflag:s15] =	ssyncadd.s32 $0xFFFFE000  }
0x15: {  	[tilespmem:s18], [sflag:$0x1] =	stream.strided.gather [hbm4b:s9+s16], $0x8000, s17, s16, $0x38;
	[tilespmem:$0x1E000] =	vst v63  }
0x16: {  	s28 =	simm.s32 $0x1A000  }
0x17: {  	[tilespmem:s28], [sflag:$0x2] =	stream.strided.gather [hbm4b:s10+s16], $0x1000, s17, s16, $0x38;
	[tilespmem:$0x1E000] =	vst v63  }
0x18: {  	s30 =	simm.s32 $0x1C000  }
0x19: {  	[tilespmem:s30], [sflag:$0x2] =	stream.strided.gather [hbm4b:s11+s16], $0x1000, s17, s16, $0x38;
	[tilespmem:$0x1E000] =	vst v63  }
0x1a: {  	s31 =	simm.s32 $0x1B000  }
0x1b: {  	[tilespmem:s31], [sflag:$0x2] =	stream.strided.gather [hbm4b:s12+s16], $0x1000, s17, s16, $0x38;
	[tilespmem:$0x1E000] =	vst v63  }
0x1c: {  	s29 =	simm.s32 $0x0  }
0x1d: {  	[tilespmem:s22], [sflag:$0x2] =	stream.strided.gather [hbm4b:s13+s16], $0x1000, s17, s16, $0x38;
	[tilespmem:$0x1E000] =	vst v63  }
.LBB2_2:
0x1e: {  	p0 =	slt.u32 s29, $0x2  }
0x1f: {  	p1 =	seq.s32 @!p0 s29, $0x1F  }
0x20: {  	p1 =	por p0, !p1  }
.Ltmp0:
0x21: {  	_ = 	snop;
	(pc) =	sbr.rel @p1 .LBB2_4-.Ltmp0, $4  }
0x22: {  	s0 =	simm.s32 @!p0 $0x3  }
0x23: {  	_ =	swait.ge @!p0 [sflag:s0], $0x8000  }
0x24: {  	[sflag:s0] =	ssyncset.done @!p0 $0x0  }
0x25: {  	[sflag:s0] =	ssyncadd.s32 @!p0 $0xFFFF8000  }
.Ltmp1:
0x26: {  	(pc) =	sbr.rel .LBB2_5-.Ltmp1, $2  }
0x27: {  	_ =	sdelay $0x2  }
0x28: {  	s28 =	simm.s32 @!p0 $0x20;
	p0 =	por @!p0 $0x1, $0x1  }
.LBB2_4:
0x29: {  	s28 =	sadd.s32 $0x1, s29  }
0x2a: {  	s0 =	smul.u32 $0xAB, s28;
	_ =	sdelay $0x1  }
0x2b: {  	s0 =	sshrl.u32 s0, $0x9  }
0x2c: {  	s0 =	sand.u32 $0x7F, s0  }
0x2d: {  	s0 =	smul.u32 $0x3, s0;
	_ =	sdelay $0x1  }
0x2e: {  	s4 =	sadd.s32 s7, s28;
	s6 =	sshll.u32 s28, $0x4;
	s0 =	ssub.s32 s28, s0  }
0x2f: {  	s4 =	sshll.u32 s4, $0xC;
	s6 =	sand.u32 $0x70, s6;
	s0 =	sand.u32 $0xFF, s0  }
0x30: {  	s4 =	sand.u32 $0x7F8000, s4;
	s6 =	sadd.s32 s1, s6;
	s0 =	sshll.u32 s0, $0xF  }
0x31: {  	p0 =	por $0x0, $0x0;
	s4 =	sadd.s32 s4, s6;
	s0 =	sor.u32 $0x2000, s0  }
0x32: {  	[tilespmem:s0], [sflag:$0x1] =	stream.strided.gather [hbm4b:s4+s16], $0x8000, s17, s16, $0x38;
	[tilespmem:$0x1E000] =	vst v63  }
.LBB2_5:
0x33: {  	_ =	swait.ge [sflag:s23], $0x8000  }
0x34: {  	[sflag:s23] =	ssyncset.done $0x0  }
0x35: {  	[sflag:s23] =	ssyncadd.s32 $0xFFFF8000  }
0x36: {  	_ =	swait.ge [sflag:s24], $0x1000  }
0x37: {  	[sflag:s24] =	ssyncset.done $0x0  }
0x38: {  	[sflag:s24] =	ssyncadd.s32 $0xFFFFF000  }
0x39: {  	_ =	swait.ge [sflag:s24], $0x1000  }
0x3a: {  	s0 =	smul.u32 $0xAB, s29;
	[sflag:s24] =	ssyncset.done $0x0  }
0x3b: {  	s4 =	simm.s32 $0x40;
	[sflag:s24] =	ssyncadd.s32 $0xFFFFF000  }
0x3c: {  	s0 =	sshrl.u32 s0, $0x9;
	v1 =	vld [tilespmem:s4+$0x30]  }
0x3d: {  	s0 =	sand.u32 $0x7F, s0;
	v2 =	vld [tilespmem:s4+$0xFFFFFFD0]  }
0x3e: {  	s0 =	smul.u32 $0x3, s0;
	v3 =	vld [tilespmem:s4+$0xFFFFFFE0]  }
0x3f: {  	v4 =	vld [tilespmem:s4+$0xFFFFFFF0]  }
0x40: {  	s0 =	ssub.s32 s29, s0;
	v5 =	vld [tilespmem:s4+$0x0]  }
0x41: {  	s0 =	sand.u32 $0xFF, s0;
	v6 =	vld [tilespmem:s4+$0x10]  }
0x42: {  	s30 =	sshll.u32 s0, $0xF;
	s0 =	simm.s32 $0x1A040;
	v8 =	vld [tilespmem:s4+$0x20]  }
0x43: {  	v10 =	vld [tilespmem:s0+$0x30]  }
0x44: {  	v48 =	vld [tilespmem:s4+$0xFFFFFFC0]  }
0x45: {  	v0 =	vmov s30;
	v11 =	vld [tilespmem:s0+$0xFFFFFFC0];
	v7 =	vand.u32 $0xFF80, v1  }
0x46: {  	v14 =	vld [tilespmem:s0+$0xFFFFFFD0];
	v9 =	vand.u32 $0x7F, v1;
	v12 =	vand.u32 $0xFF80, v2;
	v7 =	vadd.s32 v0, v7  }
0x47: {  	v16 =	vld [tilespmem:s0+$0xFFFFFFE0];
	v13 =	vand.u32 $0xFF80, v3;
	v15 =	vand.u32 $0x7F, v2;
	v7 =	vor.u32 v9, v7  }
0x48: {  	v52 =	vld [tilespmem:s0+$0xFFFFFFF0];
	v18 =	vand.u32 $0x7F, v3;
	v20 =	vand.u32 $0xFF80, v5;
	v12 =	vadd.s32 v0, v12  }
0x49: {  	v53 =	vld [tilespmem:s0+$0x0];
	v22 =	vand.u32 $0xFF80, v6;
	v13 =	vadd.s32 v0, v13;
	v12 =	vor.u32 v15, v12  }
0x4a: {  	v54 =	vld [tilespmem:s0+$0x10];
	v23 =	vand.u32 $0x7F, v5;
	v20 =	vadd.s32 v0, v20;
	v13 =	vor.u32 v18, v13  }
0x4b: {  	v55 =	vld [tilespmem:s0+$0x20];
	v25 =	vand.u32 $0x7F, v6;
	v22 =	vadd.s32 v0, v22;
	v20 =	vor.u32 v23, v20  }
0x4c: {  	s4 =	simm.s32 $0x1C040;
	v1 =	vshrl.u32 v1, $0x10;
	v22 =	vor.u32 v25, v22;
	[tilespmem:v7+s18+$0x0] =	vst.idx.add.f32.msk $0xffff, v10  }
0x4d: {  	v1 =	vadd.s32 v0, v1;
	v51 =	vld [tilespmem:s4+$0x30]  }
0x4e: {  	[tilespmem:v12+s18+$0x0] =	vst.idx.add.f32.msk $0xffff, v14  }
0x4f: {  	v17 =	vand.u32 $0xFF80, v4;
	v50 =	vand.u32 $0xFF80, v48;
	[tilespmem:v13+s18+$0x0] =	vst.idx.add.f32.msk $0xffff, v16  }
0x50: {  	v19 =	vand.u32 $0x7F, v48;
	v21 =	vand.u32 $0x7F, v4;
	v49 =	vadd.s32 v0, v17;
	[tilespmem:v20+s18+$0x0] =	vst.idx.add.f32.msk $0xffff, v53  }
0x51: {  	v24 =	vand.u32 $0xFF80, v8;
	v10 =	vadd.s32 v0, v50;
	v7 =	vor.u32 v21, v49;
	[tilespmem:v22+s18+$0x0] =	vst.idx.add.f32.msk $0xffff, v54  }
0x52: {  	v56 =	vand.u32 $0x7F, v8;
	v10 =	vor.u32 v19, v10;
	[tilespmem:v1+s18+$0x0] =	vst.idx.add.f32.msk $0xffff, v51;
	v1 =	vadd.s32 v0, v24  }
0x53: {  	v58 =	vld [tilespmem:s4+$0xFFFFFFD0];
	v1 =	vor.u32 v56, v1  }
0x54: {  	v59 =	vld [tilespmem:s4+$0xFFFFFFE0]  }
0x55: {  	v61 =	vld [tilespmem:s4+$0x0]  }
0x56: {  	v2 =	vshrl.u32 v2, $0x10;
	[tilespmem:v7+s18+$0x0] =	vst.idx.add.f32.msk $0xffff, v52  }
0x57: {  	v2 =	vadd.s32 v0, v2;
	[tilespmem:v10+s18+$0x0] =	vst.idx.add.f32.msk $0xffff, v11  }
0x58: {  	v57 =	vshrl.u32 v48, $0x10;
	[tilespmem:v1+s18+$0x0] =	vst.idx.add.f32.msk $0xffff, v55  }
0x59: {  	v3 =	vshrl.u32 v3, $0x10;
	v7 =	vadd.s32 v0, v57;
	v1 =	vld [tilespmem:s4+$0xFFFFFFC0]  }
0x5a: {  	v5 =	vshrl.u32 v5, $0x10;
	v3 =	vadd.s32 v0, v3;
	v62 =	vld [tilespmem:s4+$0x10]  }
0x5b: {  	v6 =	vshrl.u32 v6, $0x10;
	v5 =	vadd.s32 v0, v5;
	v60 =	vld [tilespmem:s4+$0xFFFFFFF0]  }
0x5c: {  	v4 =	vshrl.u32 v4, $0x10;
	v6 =	vadd.s32 v0, v6;
	[tilespmem:v2+s18+$0x0] =	vst.idx.add.f32.msk $0xffff, v58  }
0x5d: {  	v8 =	vshrl.u32 v8, $0x10;
	v4 =	vadd.s32 v0, v4;
	v63 =	vld [tilespmem:s4+$0x20]  }
0x5e: {  	[tilespmem:v7+s18+$0x0] =	vst.idx.add.f32.msk $0xffff, v1;
	v1 =	vadd.s32 v0, v8  }
0x5f: {  	[tilespmem:v3+s18+$0x0] =	vst.idx.add.f32.msk $0xffff, v59  }
0x60: {  	[tilespmem:v5+s18+$0x0] =	vst.idx.add.f32.msk $0xffff, v61  }
0x61: {  	[tilespmem:v6+s18+$0x0] =	vst.idx.add.f32.msk $0xffff, v62  }
0x62: {  	[tilespmem:v4+s18+$0x0] =	vst.idx.add.f32.msk $0xffff, v60  }
0x63: {  	s6 =	simm.s32 $0x0;
	s19 =	simm.s32 $0xC0;
	[tilespmem:v1+s18+$0x0] =	vst.idx.add.f32.msk $0xffff, v63  }
.LBB2_6:
0x64: {  	v1 =	vld [tilespmem:s19+$0x30];
	s6 =	sadd.s32 $0x80, s6  }
0x65: {  	v2 =	vld [tilespmem:s19+$0xFFFFFFD0];
	p1 =	slt.u32 s6, $0xF80  }
0x66: {  	v3 =	vld [tilespmem:s19+$0xFFFFFFE0]  }
0x67: {  	v4 =	vld [tilespmem:s19+$0xFFFFFFF0]  }
0x68: {  	v5 =	vld [tilespmem:s19+$0x0]  }
0x69: {  	v6 =	vld [tilespmem:s19+$0x10];
	v7 =	vand.u32 $0xFF80, v1  }
0x6a: {  	s0 =	sadd.s32 $0x80, s0;
	v10 =	vand.u32 $0x7F, v1;
	v8 =	vand.u32 $0xFF80, v2;
	v9 =	vld [tilespmem:s19+$0x20];
	v7 =	vadd.s32 v0, v7  }
0x6b: {  	v8 =	vadd.s32 v0, v8;
	v11 =	vand.u32 $0xFF80, v3;
	v12 =	vld [tilespmem:s0+$0x30];
	v7 =	vor.u32 v10, v7  }
0x6c: {  	v13 =	vand.u32 $0x7F, v2;
	v10 =	vld [tilespmem:s19+$0xFFFFFFC0];
	v11 =	vadd.s32 v0, v11;
	v14 =	vand.u32 $0xFF80, v4  }
0x6d: {  	v16 =	vand.u32 $0x7F, v3;
	v15 =	vld [tilespmem:s0+$0xFFFFFFC0];
	v14 =	vadd.s32 v0, v14;
	v17 =	vand.u32 $0xFF80, v5  }
0x6e: {  	v19 =	vand.u32 $0x7F, v4;
	v18 =	vld [tilespmem:s0+$0xFFFFFFD0];
	v17 =	vadd.s32 v0, v17;
	v20 =	vand.u32 $0xFF80, v6  }
0x6f: {  	v22 =	vand.u32 $0x7F, v5;
	v21 =	vld [tilespmem:s0+$0xFFFFFFE0];
	v20 =	vadd.s32 v0, v20;
	v23 =	vand.u32 $0xFF80, v9  }
0x70: {  	s4 =	sadd.s32 $0x80, s4;
	v1 =	vshrl.u32 v1, $0x10;
	v24 =	vand.u32 $0x7F, v6;
	v23 =	vadd.s32 v0, v23;
	[tilespmem:v7+s18+$0x0] =	vst.idx.add.f32.msk $0xffff, v12  }
0x71: {  	v1 =	vadd.s32 v0, v1;
	v7 =	vand.u32 $0xFF80, v10;
	v12 =	vand.u32 $0x7F, v10;
	v25 =	vld [tilespmem:s4+$0x30]  }
0x72: {  	v8 =	vor.u32 v13, v8;
	v26 =	vand.u32 $0x7F, v9;
	v7 =	vadd.s32 v0, v7;
	v13 =	vld [tilespmem:s0+$0xFFFFFFF0]  }
0x73: {  	v11 =	vor.u32 v16, v11;
	v7 =	vor.u32 v12, v7;
	v12 =	vor.u32 v19, v14;
	v14 =	vld [tilespmem:s0+$0x0]  }
0x74: {  	v16 =	vor.u32 v22, v17;
	v19 =	vor.u32 v24, v20;
	v20 =	vor.u32 v26, v23;
	v17 =	vld [tilespmem:s0+$0x10]  }
0x75: {  	v2 =	vshrl.u32 v2, $0x10;
	v3 =	vshrl.u32 v3, $0x10;
	v10 =	vshrl.u32 v10, $0x10;
	v22 =	vld [tilespmem:s0+$0x20]  }
0x76: {  	v4 =	vshrl.u32 v4, $0x10;
	v5 =	vshrl.u32 v5, $0x10;
	v6 =	vshrl.u32 v6, $0x10;
	[tilespmem:v1+s18+$0x0] =	vst.idx.add.f32.msk $0xffff, v25  }
0x77: {  	v2 =	vadd.s32 v0, v2;
	v1 =	vadd.s32 v0, v10;
	[tilespmem:v8+s18+$0x0] =	vst.idx.add.f32.msk $0xffff, v18;
	v8 =	vshrl.u32 v9, $0x10  }
0x78: {  	v3 =	vadd.s32 v0, v3;
	v4 =	vadd.s32 v0, v4;
	[tilespmem:v7+s18+$0x0] =	vst.idx.add.f32.msk $0xffff, v15  }
0x79: {  	v5 =	vadd.s32 v0, v5;
	v6 =	vadd.s32 v0, v6;
	[tilespmem:v11+s18+$0x0] =	vst.idx.add.f32.msk $0xffff, v21  }
0x7a: {  	v7 =	vadd.s32 v0, v8;
	[tilespmem:v12+s18+$0x0] =	vst.idx.add.f32.msk $0xffff, v13  }
0x7b: {  	[tilespmem:v16+s18+$0x0] =	vst.idx.add.f32.msk $0xffff, v14  }
0x7c: {  	[tilespmem:v19+s18+$0x0] =	vst.idx.add.f32.msk $0xffff, v17  }
0x7d: {  	[tilespmem:v20+s18+$0x0] =	vst.idx.add.f32.msk $0xffff, v22  }
0x7e: {  	v8 =	vld [tilespmem:s4+$0xFFFFFFC0]  }
0x7f: {  	v9 =	vld [tilespmem:s4+$0xFFFFFFD0]  }
0x80: {  	v10 =	vld [tilespmem:s4+$0xFFFFFFE0]  }
0x81: {  	v11 =	vld [tilespmem:s4+$0xFFFFFFF0]  }
0x82: {  	v12 =	vld [tilespmem:s4+$0x0]  }
0x83: {  	v13 =	vld [tilespmem:s4+$0x10]  }
0x84: {  	v14 =	vld [tilespmem:s4+$0x20]  }
0x85: {  	[tilespmem:v1+s18+$0x0] =	vst.idx.add.f32.msk $0xffff, v8  }
0x86: {  	[tilespmem:v2+s18+$0x0] =	vst.idx.add.f32.msk $0xffff, v9  }
.Ltmp2:
0x87: {  	[tilespmem:v3+s18+$0x0] =	vst.idx.add.f32.msk $0xffff, v10;
	(pc) =	sbr.rel @p1 .LBB2_6-.Ltmp2, $4  }
0x88: {  	[tilespmem:v4+s18+$0x0] =	vst.idx.add.f32.msk $0xffff, v11  }
0x89: {  	[tilespmem:v5+s18+$0x0] =	vst.idx.add.f32.msk $0xffff, v12  }
0x8a: {  	[tilespmem:v6+s18+$0x0] =	vst.idx.add.f32.msk $0xffff, v13  }
0x8b: {  	s19 =	sadd.s32 $0x80, s19;
	[tilespmem:v7+s18+$0x0] =	vst.idx.add.f32.msk $0xffff, v14  }
0x8c: {  	s0 =	sadd.s32 @!p0 s7, s28  }
0x8d: {  	s4 =	sshll.u32 @!p0 s28, $0x4;
	s0 =	sshll.u32 @!p0 s0, $0xA  }
0x8e: {  	s31 =	sand.u32 @!p0 $0x1FE000, s0;
	s0 =	sand.u32 @!p0 $0x70, s4  }
0x8f: {  	s19 =	simm.s32 @!p0 $0x80;
	s4 =	sor.u32 @!p0 s0, s31  }
0x90: {  	s20 =	simm.s32 @!p0 $0x400;
	s21 =	simm.s32 @!p0 $0x1A000;
	s6 =	sadd.s32 @!p0 s2, s4  }
0x91: {  	[tilespmem:s21], [sflag:$0x2] =	stream.strided.gather @!p0 [hbm4b:s6+s19], $0x1000, s20, s19, $0x38;
	[tilespmem:$0x1E000] =	vst v63  }
0x92: {  	s4 =	sadd.s32 @!p0 s3, s4;
	s6 =	simm.s32 @!p0 $0x1C000  }
0x93: {  	[tilespmem:s6], [sflag:$0x2] =	stream.strided.gather @!p0 [hbm4b:s4+s19], $0x1000, s20, s19, $0x38;
	[tilespmem:$0x1E000] =	vst v63  }
0x94: {  	_ =	swait.ge [sflag:s24], $0x1000  }
0x95: {  	[sflag:s24] =	ssyncset.done $0x0  }
0x96: {  	[sflag:s24] =	ssyncadd.s32 $0xFFFFF000  }
0x97: {  	_ =	swait.ge [sflag:s24], $0x1000  }
0x98: {  	[sflag:s24] =	ssyncset.done $0x0  }
0x99: {  	s19 =	simm.s32 $0x1070;
	[sflag:s24] =	ssyncadd.s32 $0xFFFFF000  }
0x9a: {  	v1 =	vld [tilespmem:s19+$0x0]  }
0x9b: {  	v2 =	vld [tilespmem:s19+$0xFFFFFFA0]  }
0x9c: {  	v3 =	vld [tilespmem:s19+$0xFFFFFFB0]  }
0x9d: {  	v4 =	vld [tilespmem:s19+$0xFFFFFFC0]  }
0x9e: {  	v5 =	vld [tilespmem:s19+$0xFFFFFFD0]  }
0x9f: {  	v6 =	vld [tilespmem:s19+$0xFFFFFFE0]  }
0xa0: {  	s4 =	simm.s32 $0x1B070;
	v8 =	vld [tilespmem:s19+$0xFFFFFFF0]  }
0xa1: {  	v10 =	vld [tilespmem:s4+$0x0]  }
0xa2: {  	v48 =	vld [tilespmem:s19+$0xFFFFFF90]  }
0xa3: {  	v11 =	vld [tilespmem:s4+$0xFFFFFF90];
	v7 =	vand.u32 $0xFF80, v1  }
0xa4: {  	v14 =	vld [tilespmem:s4+$0xFFFFFFA0];
	v9 =	vand.u32 $0x7F, v1;
	v12 =	vand.u32 $0xFF80, v2;
	v7 =	vadd.s32 v0, v7  }
0xa5: {  	v16 =	vld [tilespmem:s4+$0xFFFFFFB0];
	v13 =	vand.u32 $0xFF80, v3;
	v15 =	vand.u32 $0x7F, v2;
	v7 =	vor.u32 v9, v7  }
0xa6: {  	v52 =	vld [tilespmem:s4+$0xFFFFFFC0];
	v18 =	vand.u32 $0x7F, v3;
	v20 =	vand.u32 $0xFF80, v5;
	v12 =	vadd.s32 v0, v12  }
0xa7: {  	v53 =	vld [tilespmem:s4+$0xFFFFFFD0];
	v22 =	vand.u32 $0xFF80, v6;
	v13 =	vadd.s32 v0, v13;
	v12 =	vor.u32 v15, v12  }
0xa8: {  	v54 =	vld [tilespmem:s4+$0xFFFFFFE0];
	v23 =	vand.u32 $0x7F, v5;
	v20 =	vadd.s32 v0, v20;
	v13 =	vor.u32 v18, v13  }
0xa9: {  	v55 =	vld [tilespmem:s4+$0xFFFFFFF0];
	v25 =	vand.u32 $0x7F, v6;
	v22 =	vadd.s32 v0, v22;
	v20 =	vor.u32 v23, v20  }
0xaa: {  	s6 =	simm.s32 $0x1D070;
	v1 =	vshrl.u32 v1, $0x10;
	v22 =	vor.u32 v25, v22;
	[tilespmem:v7+s18+$0x0] =	vst.idx.add.f32.msk $0xffff, v10  }
0xab: {  	v1 =	vadd.s32 v0, v1;
	v51 =	vld [tilespmem:s6+$0x0]  }
0xac: {  	[tilespmem:v12+s18+$0x0] =	vst.idx.add.f32.msk $0xffff, v14  }
0xad: {  	v17 =	vand.u32 $0xFF80, v4;
	v50 =	vand.u32 $0xFF80, v48;
	[tilespmem:v13+s18+$0x0] =	vst.idx.add.f32.msk $0xffff, v16  }
0xae: {  	v19 =	vand.u32 $0x7F, v48;
	v21 =	vand.u32 $0x7F, v4;
	v49 =	vadd.s32 v0, v17;
	[tilespmem:v20+s18+$0x0] =	vst.idx.add.f32.msk $0xffff, v53  }
0xaf: {  	v24 =	vand.u32 $0xFF80, v8;
	v10 =	vadd.s32 v0, v50;
	v7 =	vor.u32 v21, v49;
	[tilespmem:v22+s18+$0x0] =	vst.idx.add.f32.msk $0xffff, v54  }
0xb0: {  	v56 =	vand.u32 $0x7F, v8;
	v10 =	vor.u32 v19, v10;
	[tilespmem:v1+s18+$0x0] =	vst.idx.add.f32.msk $0xffff, v51;
	v1 =	vadd.s32 v0, v24  }
0xb1: {  	v58 =	vld [tilespmem:s6+$0xFFFFFFA0];
	v1 =	vor.u32 v56, v1  }
0xb2: {  	v59 =	vld [tilespmem:s6+$0xFFFFFFB0]  }
0xb3: {  	v61 =	vld [tilespmem:s6+$0xFFFFFFD0]  }
0xb4: {  	v2 =	vshrl.u32 v2, $0x10;
	[tilespmem:v7+s18+$0x0] =	vst.idx.add.f32.msk $0xffff, v52  }
0xb5: {  	v2 =	vadd.s32 v0, v2;
	[tilespmem:v10+s18+$0x0] =	vst.idx.add.f32.msk $0xffff, v11  }
0xb6: {  	v57 =	vshrl.u32 v48, $0x10;
	[tilespmem:v1+s18+$0x0] =	vst.idx.add.f32.msk $0xffff, v55  }
0xb7: {  	v3 =	vshrl.u32 v3, $0x10;
	v7 =	vadd.s32 v0, v57;
	v1 =	vld [tilespmem:s6+$0xFFFFFF90]  }
0xb8: {  	v5 =	vshrl.u32 v5, $0x10;
	v3 =	vadd.s32 v0, v3;
	v62 =	vld [tilespmem:s6+$0xFFFFFFE0]  }
0xb9: {  	v6 =	vshrl.u32 v6, $0x10;
	v5 =	vadd.s32 v0, v5;
	v60 =	vld [tilespmem:s6+$0xFFFFFFC0]  }
0xba: {  	v4 =	vshrl.u32 v4, $0x10;
	v6 =	vadd.s32 v0, v6;
	[tilespmem:v2+s18+$0x0] =	vst.idx.add.f32.msk $0xffff, v58  }
0xbb: {  	v8 =	vshrl.u32 v8, $0x10;
	v4 =	vadd.s32 v0, v4;
	v63 =	vld [tilespmem:s6+$0xFFFFFFF0]  }
0xbc: {  	[tilespmem:v7+s18+$0x0] =	vst.idx.add.f32.msk $0xffff, v1;
	v1 =	vadd.s32 v0, v8  }
0xbd: {  	[tilespmem:v3+s18+$0x0] =	vst.idx.add.f32.msk $0xffff, v59  }
0xbe: {  	[tilespmem:v5+s18+$0x0] =	vst.idx.add.f32.msk $0xffff, v61  }
0xbf: {  	s21 =	sshll.u32 s29, $0x4;
	s20 =	sor.u32 s7, s29;
	[tilespmem:v6+s18+$0x0] =	vst.idx.add.f32.msk $0xffff, v62  }
0xc0: {  	s30 =	sadd.s32 $0x2000, s30;
	s29 =	sand.u32 $0x70, s21;
	s19 =	sshll.u32 s20, $0xC;
	[tilespmem:v4+s18+$0x0] =	vst.idx.add.f32.msk $0xffff, v60  }
0xc1: {  	s21 =	simm.s32 $0x10F0;
	s20 =	simm.s32 $0x1000;
	s19 =	sand.u32 $0x3F8000, s19;
	[tilespmem:v1+s18+$0x0] =	vst.idx.add.f32.msk $0xffff, v63  }
.LBB2_8:
0xc2: {  	v1 =	vld [tilespmem:s21+$0x0];
	s20 =	sadd.s32 $0x80, s20  }
0xc3: {  	v2 =	vld [tilespmem:s21+$0xFFFFFFA0];
	p1 =	slt.u32 s20, $0x1F80  }
0xc4: {  	v3 =	vld [tilespmem:s21+$0xFFFFFFB0]  }
0xc5: {  	v4 =	vld [tilespmem:s21+$0xFFFFFFC0]  }
0xc6: {  	v5 =	vld [tilespmem:s21+$0xFFFFFFD0]  }
0xc7: {  	v6 =	vld [tilespmem:s21+$0xFFFFFFE0];
	v7 =	vand.u32 $0xFF80, v1  }
0xc8: {  	s4 =	sadd.s32 $0x80, s4;
	v10 =	vand.u32 $0x7F, v1;
	v8 =	vand.u32 $0xFF80, v2;
	v9 =	vld [tilespmem:s21+$0xFFFFFFF0];
	v7 =	vadd.s32 v0, v7  }
0xc9: {  	v8 =	vadd.s32 v0, v8;
	v11 =	vand.u32 $0xFF80, v3;
	v12 =	vld [tilespmem:s4+$0x0];
	v7 =	vor.u32 v10, v7  }
0xca: {  	v13 =	vand.u32 $0x7F, v2;
	v10 =	vld [tilespmem:s21+$0xFFFFFF90];
	v11 =	vadd.s32 v0, v11;
	v14 =	vand.u32 $0xFF80, v4  }
0xcb: {  	v16 =	vand.u32 $0x7F, v3;
	v15 =	vld [tilespmem:s4+$0xFFFFFF90];
	v14 =	vadd.s32 v0, v14;
	v17 =	vand.u32 $0xFF80, v5  }
0xcc: {  	v19 =	vand.u32 $0x7F, v4;
	v18 =	vld [tilespmem:s4+$0xFFFFFFA0];
	v17 =	vadd.s32 v0, v17;
	v20 =	vand.u32 $0xFF80, v6  }
0xcd: {  	v22 =	vand.u32 $0x7F, v5;
	v21 =	vld [tilespmem:s4+$0xFFFFFFB0];
	v20 =	vadd.s32 v0, v20;
	v23 =	vand.u32 $0xFF80, v9  }
0xce: {  	s6 =	sadd.s32 $0x80, s6;
	v1 =	vshrl.u32 v1, $0x10;
	v24 =	vand.u32 $0x7F, v6;
	v23 =	vadd.s32 v0, v23;
	[tilespmem:v7+s18+$0x0] =	vst.idx.add.f32.msk $0xffff, v12  }
0xcf: {  	v1 =	vadd.s32 v0, v1;
	v7 =	vand.u32 $0xFF80, v10;
	v12 =	vand.u32 $0x7F, v10;
	v25 =	vld [tilespmem:s6+$0x0]  }
0xd0: {  	v8 =	vor.u32 v13, v8;
	v26 =	vand.u32 $0x7F, v9;
	v7 =	vadd.s32 v0, v7;
	v13 =	vld [tilespmem:s4+$0xFFFFFFC0]  }
0xd1: {  	v11 =	vor.u32 v16, v11;
	v7 =	vor.u32 v12, v7;
	v12 =	vor.u32 v19, v14;
	v14 =	vld [tilespmem:s4+$0xFFFFFFD0]  }
0xd2: {  	v16 =	vor.u32 v22, v17;
	v19 =	vor.u32 v24, v20;
	v20 =	vor.u32 v26, v23;
	v17 =	vld [tilespmem:s4+$0xFFFFFFE0]  }
0xd3: {  	v2 =	vshrl.u32 v2, $0x10;
	v3 =	vshrl.u32 v3, $0x10;
	v10 =	vshrl.u32 v10, $0x10;
	v22 =	vld [tilespmem:s4+$0xFFFFFFF0]  }
0xd4: {  	v4 =	vshrl.u32 v4, $0x10;
	v5 =	vshrl.u32 v5, $0x10;
	v6 =	vshrl.u32 v6, $0x10;
	[tilespmem:v1+s18+$0x0] =	vst.idx.add.f32.msk $0xffff, v25  }
0xd5: {  	v2 =	vadd.s32 v0, v2;
	v1 =	vadd.s32 v0, v10;
	[tilespmem:v8+s18+$0x0] =	vst.idx.add.f32.msk $0xffff, v18;
	v8 =	vshrl.u32 v9, $0x10  }
0xd6: {  	v3 =	vadd.s32 v0, v3;
	v4 =	vadd.s32 v0, v4;
	[tilespmem:v7+s18+$0x0] =	vst.idx.add.f32.msk $0xffff, v15  }
0xd7: {  	v5 =	vadd.s32 v0, v5;
	v6 =	vadd.s32 v0, v6;
	[tilespmem:v11+s18+$0x0] =	vst.idx.add.f32.msk $0xffff, v21  }
0xd8: {  	v7 =	vadd.s32 v0, v8;
	[tilespmem:v12+s18+$0x0] =	vst.idx.add.f32.msk $0xffff, v13  }
0xd9: {  	[tilespmem:v16+s18+$0x0] =	vst.idx.add.f32.msk $0xffff, v14  }
0xda: {  	[tilespmem:v19+s18+$0x0] =	vst.idx.add.f32.msk $0xffff, v17  }
0xdb: {  	[tilespmem:v20+s18+$0x0] =	vst.idx.add.f32.msk $0xffff, v22  }
0xdc: {  	v8 =	vld [tilespmem:s6+$0xFFFFFF90]  }
0xdd: {  	v9 =	vld [tilespmem:s6+$0xFFFFFFA0]  }
0xde: {  	v10 =	vld [tilespmem:s6+$0xFFFFFFB0]  }
0xdf: {  	v11 =	vld [tilespmem:s6+$0xFFFFFFC0]  }
0xe0: {  	v12 =	vld [tilespmem:s6+$0xFFFFFFD0]  }
0xe1: {  	v13 =	vld [tilespmem:s6+$0xFFFFFFE0]  }
0xe2: {  	v14 =	vld [tilespmem:s6+$0xFFFFFFF0]  }
0xe3: {  	[tilespmem:v1+s18+$0x0] =	vst.idx.add.f32.msk $0xffff, v8  }
0xe4: {  	[tilespmem:v2+s18+$0x0] =	vst.idx.add.f32.msk $0xffff, v9  }
.Ltmp3:
0xe5: {  	[tilespmem:v3+s18+$0x0] =	vst.idx.add.f32.msk $0xffff, v10;
	(pc) =	sbr.rel @p1 .LBB2_8-.Ltmp3, $4  }
0xe6: {  	[tilespmem:v4+s18+$0x0] =	vst.idx.add.f32.msk $0xffff, v11  }
0xe7: {  	[tilespmem:v5+s18+$0x0] =	vst.idx.add.f32.msk $0xffff, v12  }
0xe8: {  	[tilespmem:v6+s18+$0x0] =	vst.idx.add.f32.msk $0xffff, v13  }
0xe9: {  	s21 =	sadd.s32 $0x80, s21;
	[tilespmem:v7+s18+$0x0] =	vst.idx.add.f32.msk $0xffff, v14  }
0xea: {  	s0 =	sor.u32 @!p0 s31, s0  }
0xeb: {  	s6 =	simm.s32 @!p0 $0x80;
	s0 =	sor.u32 @!p0 $0x1000, s0  }
0xec: {  	s20 =	simm.s32 @!p0 $0x400;
	s21 =	simm.s32 @!p0 $0x1B000;
	s4 =	sadd.s32 @!p0 s2, s0  }
0xed: {  	[tilespmem:s21], [sflag:$0x2] =	stream.strided.gather @!p0 [hbm4b:s4+s6], $0x1000, s20, s6, $0x38;
	[tilespmem:$0x1E000] =	vst v63  }
0xee: {  	s0 =	sadd.s32 @!p0 s3, s0;
	s4 =	simm.s32 @!p0 $0x1D000  }
0xef: {  	[tilespmem:s4], [sflag:$0x2] =	stream.strided.gather @!p0 [hbm4b:s0+s6], $0x1000, s20, s6, $0x38;
	[tilespmem:$0x1E000] =	vst v63  }
0xf0: {  	p0 =	slt.u32 s28, $0x20  }
.Ltmp4:
0xf1: {  	_ = 	snop;
	(pc) =	sbr.rel @p0 .LBB2_2-.Ltmp4, $4  }
0xf2: {  	_ = 	snop  }
0xf3: {  	s31 =	sadd.s32 s5, s29  }
0xf4: {  	s29 =	smov.u32 s28;
	s0 =	sadd.s32 s19, s31  }
0xf5: {  	[hbm4b:s0+s16] =	stream.strided.scatter [tilespmem:s30], [sflag:$0x3], $0x8000, s17, s16, $0x38;
	[tilespmem:$0x1E000] =	vst v63  }
0xf6: {  	s26 =	sadd.s32 $0x1, s26  }
0xf7: {  	_ =	swait.ge [sflag:s25], $0x8000;
	p0 =	sne.s32 s26, s14  }
.Ltmp5:
0xf8: {  	[sflag:s25] =	ssyncset.done $0x0;
	(pc) =	sbr.rel @p0 .LBB2_1-.Ltmp5, $4  }
0xf9: {  	[sflag:s25] =	ssyncadd.s32 $0xFFFF8000  }
0xfa: {  	_ =	swait.ge [sflag:s25], $0x8000  }
0xfb: {  	[sflag:s25] =	ssyncset.done $0x0  }
0xfc: {  	[sflag:s25] =	ssyncadd.s32 $0xFFFF8000  }
0xfd: {  	_ =	sfence.sel $0x180000  }
0xfe: {  	[bflag:$0x0] =	sbarrier.arrive $0xFFFF  }
0xff: {  	_ =	strace $0x90000047  }
0x100: {  	s0 =	stileid.u32;
	[bflag:$0x2] =	sbarrier.arrive $0xFFFF  }
0x101: {  	p0 =	sne.s32 s0, $0x0;
	s0 =	rddreg [dreg:$0x5]  }
0x102: {  	s0 =	sadd.s32 @!p0 $0x100000, s0  }
0x103: {  	[sflag:s0] =	ssyncadd.tile.s32 @!p0 $0x1;
	_ =	shalt  }
.Lfunc_end2:
_tile_overlayer_lowered:
.L_overlay_start_2:
0x104: {  	(tag) =	ssettag $0x2  }
0x105: {  	s0 =	rddreg [dreg:$0x0];
	s2 =	stileid.u32  }
0x106: {  	s1 =	rddreg [dreg:$0x1];
	p0 =	sne.s32 s2, $0x0  }
0x107: {  	s3 =	rddreg [dreg:$0x2];
	[bflag:$0x3] =	sbarrier.arrive $0xFFFF;
	s2 =	simm.s32 @!p0 $0x1C04  }
0x108: {  	[timem:s3], [sflag:s2] =	dma.local @!p0 [hbm:s0], s1  }
0x109: {  	s0 =	simm.s32 @!p0 $0x4  }
0x10a: {  	_ =	swait.ge @!p0 [sflag:s0], s1  }
0x10b: {  	s1 =	ssub.s32 @!p0 $0x0, s1;
	[sflag:s0] =	ssyncset.done @!p0 $0x0  }
0x10c: {  	[sflag:s0] =	ssyncadd.s32 @!p0 s1  }
0x10d: {  	[bflag:$0x3] =	sbarrier.arrive $0xFFFF  }
0x10e: {  	_ =	shalt  }

</sc_bundles>
